<compile_context>
chip_gen: v7x
topology: tpu7x:2x2x1
jax: 0.10.2.dev20260603
libtpu: 0.0.44.dev20260713+nightly
codegen_flags: <defaults>
</compile_context>

<pallas_src>
import jax
import jax.numpy as jnp
from jax import lax
from jax.experimental import pallas as pl
from jax.experimental.pallas import tpu as pltpu
from jax.experimental.pallas import tpu_sc as plsc

BATCH = 4096
SEQ = 200
DIM = 64
N = BATCH * SEQ

NUM_CORES = 2
NUM_SUBCORES = 16
NW = NUM_CORES * NUM_SUBCORES
ROWS_PER_W = N // NW

CHUNK = 800
G = ROWS_PER_W // CHUNK
REPS = CHUNK // SEQ

LANES = 16
JD = DIM // LANES


def _body(xf_hbm, table_hbm, pos_hbm, out_hbm,
          iv0, iv1, b0, b1, pos_t, sin0, sin1, sg0, sg1, ss0, ss1):
    idx_v = [iv0, iv1]
    buf = [b0, b1]
    sem_in = [sin0, sin1]
    sem_g = [sg0, sg1]
    sem_s = [ss0, ss1]

    wid = lax.axis_index("s") * NUM_CORES + lax.axis_index("c")
    base0 = wid * ROWS_PER_W

    pltpu.sync_copy(pos_hbm.at[pl.ds(0, SEQ)], pos_t)

    def idx_copy(g, b):
        base = pl.multiple_of(base0 + g * CHUNK, CHUNK)
        return pltpu.make_async_copy(xf_hbm.at[pl.ds(base, CHUNK)], idx_v[b], sem_in[b])

    def gather_copy(b):
        return pltpu.make_async_copy(table_hbm.at[idx_v[b]], buf[b], sem_g[b])

    def stage_in(g, b):
        idx_copy(g, b).start()
        idx_copy(g, b).wait()
        gather_copy(b).start()

    def out_copy(g, b):
        base = pl.multiple_of(base0 + g * CHUNK, CHUNK)
        return pltpu.make_async_copy(buf[b], out_hbm.at[pl.ds(base, CHUNK)], sem_s[b])

    def add_pos(b):
        def srow(s, carry):
            for j in range(JD):
                v = pos_t[s, pl.ds(j * LANES, LANES)]
                for q in range(REPS):
                    plsc.addupdate(buf[b].at[q * SEQ + s, pl.ds(j * LANES, LANES)], v)
            return carry

        lax.fori_loop(0, SEQ, srow, 0)

    def step(g, b, o, first, last):
        gather_copy(b).wait()
        if not last:
            if not first:
                out_copy(g - 1, o).wait()
            stage_in(g + 1, o)
        add_pos(b)
        out_copy(g, b).start()

    stage_in(0, 0)
    step(0, 0, 1, True, False)

    def pair(blk, carry):
        g0 = 1 + blk * 2
        step(g0, 1, 0, False, False)
        step(g0 + 1, 0, 1, False, False)
        return carry

    lax.fori_loop(0, (G - 2) // 2, pair, 0)

    step(G - 1, 1, 0, False, True)
    out_copy(G - 2, 0).wait()
    out_copy(G - 1, 1).wait()


@jax.jit
def _run(xf, table, pos):
    mesh = plsc.VectorSubcoreMesh(core_axis_name="c", subcore_axis_name="s")
    f = pl.kernel(
        _body,
        out_type=jax.ShapeDtypeStruct((N, DIM), jnp.float32),
        mesh=mesh,
        compiler_params=pltpu.CompilerParams(use_tc_tiling_on_sc=False),
        scratch_types=(
            [pltpu.VMEM((CHUNK,), jnp.int32) for _ in range(2)]
            + [pltpu.VMEM((CHUNK, DIM), jnp.float32) for _ in range(2)]
            + [pltpu.VMEM((SEQ, DIM), jnp.float32)]
            + [pltpu.SemaphoreType.DMA for _ in range(6)]
        ),
    )
    return f(xf, table, pos)


def kernel(x, table, pos_encoding):
    xf = x.reshape(N).astype(jnp.int32)
    out = _run(xf, table, pos_encoding)
    return out.reshape(BATCH, SEQ, DIM)

# --- scband reference (transcript-rebuilt; emitter-appended) ---
"""Pipeline reference for scband-transformer-embedding-18150531793343 (READ-ONLY COPY).

The authoritative reference and input builder live on the scoring server;
editing this copy changes nothing except your own understanding.
"""

import jax, jax.numpy as jnp
import numpy as np

VOCAB = 100000
DIM = 64
MAX_LEN = 512
BATCH = 4096
SEQ = 200


def _positional_encoding(max_len, dim):
    position = np.arange(max_len, dtype=np.float32)[:, None]
    _2i = np.arange(0, dim, 2, dtype=np.float32)
    enc = np.zeros((max_len, dim), dtype=np.float32)
    enc[:, 0::2] = np.sin(position / np.power(10000.0, _2i / dim))
    enc[:, 1::2] = np.cos(position / np.power(10000.0, _2i / dim))
    return jnp.asarray(enc)


def setup_inputs(seed: int = 0) -> dict:
    key = jax.random.key(seed)
    k1, k2 = jax.random.split(key)
    x = jax.random.randint(k1, (BATCH, SEQ), 0, VOCAB)
    # token embedding table; padding_idx=0 row is zeroed as in nn.Embedding(padding_idx=0)
    table = jax.random.normal(k2, (VOCAB, DIM), dtype=jnp.float32)
    table = table.at[0].set(0.0)
    pos_encoding = _positional_encoding(MAX_LEN, DIM)
    return {"x": x, "table": table, "pos_encoding": pos_encoding}


def reference(x, table, pos_encoding):
    # TokenEmbedding: gather rows from the table
    tok = jnp.take(table, x, axis=0)  # [B, S, D]
    # PositionalEmbedding: sinusoidal encoding sliced to seq_len, broadcast over batch
    seq_len = x.shape[1]
    pos = pos_encoding[:seq_len, :]  # [S, D]
    return tok + pos

if __name__ == "__main__":
    import jax
    _d = setup_inputs()
    print(jax.jit(kernel)(*tuple(_d.values())))

</pallas_src>

<mosaic_0001>
#map = affine_map<(d0, d1) -> (0)>
#map1 = affine_map<(d0, d1) -> (0, 0)>
module attributes {stable_mosaic.version = 14 : i64} {
  func.func @_body(%arg0: i32, %arg1: i32, %arg2: memref<819200xi32, #tpu.memory_space<hbm>>, %arg3: memref<100000x64xf32, #tpu.memory_space<hbm>>, %arg4: memref<512x64xf32, #tpu.memory_space<hbm>>, %arg5: memref<819200x64xf32, #tpu.memory_space<hbm>>, %arg6: memref<800xi32, #tpu.memory_space<vmem>>, %arg7: memref<800xi32, #tpu.memory_space<vmem>>, %arg8: memref<800x64xf32, #tpu.memory_space<vmem>>, %arg9: memref<800x64xf32, #tpu.memory_space<vmem>>, %arg10: memref<200x64xf32, #tpu.memory_space<vmem>>, %arg11: memref<!tpu.dma_semaphore, #tpu.memory_space<semaphore_mem>>, %arg12: memref<!tpu.dma_semaphore, #tpu.memory_space<semaphore_mem>>, %arg13: memref<!tpu.dma_semaphore, #tpu.memory_space<semaphore_mem>>, %arg14: memref<!tpu.dma_semaphore, #tpu.memory_space<semaphore_mem>>, %arg15: memref<!tpu.dma_semaphore, #tpu.memory_space<semaphore_mem>>, %arg16: memref<!tpu.dma_semaphore, #tpu.memory_space<semaphore_mem>>) attributes {dimension_semantics = [#tpu.dimension_semantics<core_parallel>, #tpu.dimension_semantics<subcore_parallel>], iteration_bounds = array<i64: 2, 16>, scalar_prefetch = 0 : i64, scratch_operands = 11 : i64, tpu.core_type = #tpu.core_type<sc_vector_subcore>, window_params = [{transform_indices = #map}, {transform_indices = #map1}, {transform_indices = #map1}, {transform_indices = #map1}]} {
    %mul3A = arith.constant 2 : i32
    %mul3A_0 = arith.muli %arg1, %mul3A : i32
    %add3A = arith.addi %mul3A_0, %arg0 : i32
    %mul3A_1 = arith.constant 25600 : i32
    %mul3A_2 = arith.muli %add3A, %mul3A_1 : i32
    "tpu.region"() ({
      %run_scoped3A = tpu.sem_alloc : memref<!tpu.dma_semaphore, #tpu.memory_space<semaphore_mem>>
      %dma_start3A_77 = arith.constant 0 : i32
      %dma_start3A_78 = arith.constant 0 : i32
      %dma_start3A_79 = tpu.memref_slice %arg4[%dma_start3A_77, %dma_start3A_78] : memref<512x64xf32, #tpu.memory_space<hbm>> -> memref<200x64xf32, #tpu.memory_space<hbm>>
      %dma_start3A_80 = arith.constant 0 : i32
      %dma_start3A_81 = arith.constant 0 : i32
      %dma_start3A_82 = tpu.memref_slice %arg4[%dma_start3A_80, %dma_start3A_81] : memref<512x64xf32, #tpu.memory_space<hbm>> -> memref<200x64xf32, #tpu.memory_space<hbm>>
      tpu.enqueue_dma source(%dma_start3A_82 : memref<200x64xf32, #tpu.memory_space<hbm>>) target(%arg10 : memref<200x64xf32, #tpu.memory_space<vmem>>) target_semaphore(%run_scoped3A : memref<!tpu.dma_semaphore, #tpu.memory_space<semaphore_mem>>)
      %dma_wait3A_83 = arith.constant 0 : i32
      %dma_wait3A_84 = arith.constant 0 : i32
      %dma_wait3A_85 = tpu.memref_slice %arg4[%dma_wait3A_83, %dma_wait3A_84] : memref<512x64xf32, #tpu.memory_space<hbm>> -> memref<200x64xf32, #tpu.memory_space<hbm>>
      %dma_wait3A_86 = arith.constant 0 : i32
      %dma_wait3A_87 = arith.constant 0 : i32
      %dma_wait3A_88 = tpu.memref_slice %arg4[%dma_wait3A_86, %dma_wait3A_87] : memref<512x64xf32, #tpu.memory_space<hbm>> -> memref<200x64xf32, #tpu.memory_space<hbm>>
      tpu.wait_dma2 semaphore(%run_scoped3A : memref<!tpu.dma_semaphore, #tpu.memory_space<semaphore_mem>>) src(%dma_wait3A_88 : memref<200x64xf32, #tpu.memory_space<hbm>>) dst(%arg10 : memref<200x64xf32, #tpu.memory_space<vmem>>)
      tpu.yield
    }) : () -> ()
    %add3A_3 = arith.constant 0 : i32
    %add3A_4 = arith.addi %mul3A_2, %add3A_3 : i32
    %multiple_of3A = tpu.assume_multiple %add3A_4, 800 : i32
    %dma_start3A = tpu.memref_slice %arg2[%multiple_of3A] : memref<819200xi32, #tpu.memory_space<hbm>> -> memref<800xi32, #tpu.memory_space<hbm>>
    %dma_start3A_5 = tpu.memref_slice %arg2[%multiple_of3A] : memref<819200xi32, #tpu.memory_space<hbm>> -> memref<800xi32, #tpu.memory_space<hbm>>
    tpu.enqueue_dma source(%dma_start3A_5 : memref<800xi32, #tpu.memory_space<hbm>>) target(%arg6 : memref<800xi32, #tpu.memory_space<vmem>>) target_semaphore(%arg11 : memref<!tpu.dma_semaphore, #tpu.memory_space<semaphore_mem>>)
    %add3A_6 = arith.constant 0 : i32
    %add3A_7 = arith.addi %mul3A_2, %add3A_6 : i32
    %multiple_of3A_8 = tpu.assume_multiple %add3A_7, 800 : i32
    %dma_wait3A = tpu.memref_slice %arg2[%multiple_of3A_8] : memref<819200xi32, #tpu.memory_space<hbm>> -> memref<800xi32, #tpu.memory_space<hbm>>
    %dma_wait3A_9 = tpu.memref_slice %arg2[%multiple_of3A_8] : memref<819200xi32, #tpu.memory_space<hbm>> -> memref<800xi32, #tpu.memory_space<hbm>>
    tpu.wait_dma2 semaphore(%arg11 : memref<!tpu.dma_semaphore, #tpu.memory_space<semaphore_mem>>) src(%dma_wait3A_9 : memref<800xi32, #tpu.memory_space<hbm>>) dst(%arg6 : memref<800xi32, #tpu.memory_space<vmem>>)
    %dma_start3A_10 = arith.constant 0 : i32
    %dma_start3A_11 = arith.constant 0 : i32
    %dma_start3A_12 = tpu.memref_slice %arg3[%dma_start3A_10, %dma_start3A_11] : memref<100000x64xf32, #tpu.memory_space<hbm>> -> memref<100000x64xf32, #tpu.memory_space<hbm>>
    tpu.enqueue_indirect_dma source(%dma_start3A_12 : memref<100000x64xf32, #tpu.memory_space<hbm>>) target(%arg8 : memref<800x64xf32, #tpu.memory_space<vmem>>) offsets(%arg6 : memref<800xi32, #tpu.memory_space<vmem>>) semaphore(%arg13 : memref<!tpu.dma_semaphore, #tpu.memory_space<semaphore_mem>>)
    %dma_wait3A_13 = arith.constant 0 : i32
    %dma_wait3A_14 = arith.constant 0 : i32
    %dma_wait3A_15 = tpu.memref_slice %arg3[%dma_wait3A_13, %dma_wait3A_14] : memref<100000x64xf32, #tpu.memory_space<hbm>> -> memref<100000x64xf32, #tpu.memory_space<hbm>>
    tpu.wait_indirect_dma semaphore(%arg13 : memref<!tpu.dma_semaphore, #tpu.memory_space<semaphore_mem>>) src(%dma_wait3A_15 : memref<100000x64xf32, #tpu.memory_space<hbm>>) dst(%arg8 : memref<800x64xf32, #tpu.memory_space<vmem>>)
    %add3A_16 = arith.constant 800 : i32
    %add3A_17 = arith.addi %mul3A_2, %add3A_16 : i32
    %multiple_of3A_18 = tpu.assume_multiple %add3A_17, 800 : i32
    %dma_start3A_19 = tpu.memref_slice %arg2[%multiple_of3A_18] : memref<819200xi32, #tpu.memory_space<hbm>> -> memref<800xi32, #tpu.memory_space<hbm>>
    %dma_start3A_20 = tpu.memref_slice %arg2[%multiple_of3A_18] : memref<819200xi32, #tpu.memory_space<hbm>> -> memref<800xi32, #tpu.memory_space<hbm>>
    tpu.enqueue_dma source(%dma_start3A_20 : memref<800xi32, #tpu.memory_space<hbm>>) target(%arg7 : memref<800xi32, #tpu.memory_space<vmem>>) target_semaphore(%arg12 : memref<!tpu.dma_semaphore, #tpu.memory_space<semaphore_mem>>)
    %add3A_21 = arith.constant 800 : i32
    %add3A_22 = arith.addi %mul3A_2, %add3A_21 : i32
    %multiple_of3A_23 = tpu.assume_multiple %add3A_22, 800 : i32
    %dma_wait3A_24 = tpu.memref_slice %arg2[%multiple_of3A_23] : memref<819200xi32, #tpu.memory_space<hbm>> -> memref<800xi32, #tpu.memory_space<hbm>>
    %dma_wait3A_25 = tpu.memref_slice %arg2[%multiple_of3A_23] : memref<819200xi32, #tpu.memory_space<hbm>> -> memref<800xi32, #tpu.memory_space<hbm>>
    tpu.wait_dma2 semaphore(%arg12 : memref<!tpu.dma_semaphore, #tpu.memory_space<semaphore_mem>>) src(%dma_wait3A_25 : memref<800xi32, #tpu.memory_space<hbm>>) dst(%arg7 : memref<800xi32, #tpu.memory_space<vmem>>)
    %dma_start3A_26 = arith.constant 0 : i32
    %dma_start3A_27 = arith.constant 0 : i32
    %dma_start3A_28 = tpu.memref_slice %arg3[%dma_start3A_26, %dma_start3A_27] : memref<100000x64xf32, #tpu.memory_space<hbm>> -> memref<100000x64xf32, #tpu.memory_space<hbm>>
    tpu.enqueue_indirect_dma source(%dma_start3A_28 : memref<100000x64xf32, #tpu.memory_space<hbm>>) target(%arg9 : memref<800x64xf32, #tpu.memory_space<vmem>>) offsets(%arg7 : memref<800xi32, #tpu.memory_space<vmem>>) semaphore(%arg14 : memref<!tpu.dma_semaphore, #tpu.memory_space<semaphore_mem>>)
    %scan3A = arith.constant 0 : i32
    %scan3A_29 = arith.constant 0 : i32
    %scan3A_30 = arith.constant 200 : i32
    %scan3A_31 = arith.addi %scan3A_29, %scan3A_30 : i32
    %scan3A_32 = arith.constant 1 : i32
    scf.for %scan3A_77 = %scan3A_29 to %scan3A_31 step %scan3A_32  : i32 {
      %get3A = arith.index_cast %scan3A_77 : i32 to index
      %get3A_78 = arith.constant 0 : index
      %get3A_79 = tpu.vector_load %arg10[%get3A, %get3A_78] {strides = array<i32>} : memref<200x64xf32, #tpu.memory_space<vmem>>, vector<1x16xf32>,
      %get3A_80 = vector.shape_cast %get3A_79 : vector<1x16xf32> to vector<16xf32>
      %add3A_81 = arith.constant 0 : i32
      %add3A_82 = arith.addi %add3A_81, %scan3A_77 : i32
      %swap3A = arith.index_cast %add3A_82 : i32 to index
      %swap3A_83 = arith.constant 0 : index
      %swap3A_84 = tpu.vector_load %arg8[%swap3A, %swap3A_83] {strides = array<i32>} : memref<800x64xf32, #tpu.memory_space<vmem>>, vector<1x16xf32>,
      %swap3A_85 = vector.shape_cast %swap3A_84 : vector<1x16xf32> to vector<16xf32>
      %swap3A_86 = vector.shape_cast %get3A_80 : vector<16xf32> to vector<1x16xf32>
      tpu.vector_store %arg8[%swap3A, %swap3A_83], %swap3A_86 {add = true, strides = array<i32>} : memref<800x64xf32, #tpu.memory_space<vmem>>, vector<1x16xf32>,
      %add3A_87 = arith.constant 200 : i32
      %add3A_88 = arith.addi %add3A_87, %scan3A_77 : i32
      %swap3A_89 = arith.index_cast %add3A_88 : i32 to index
      %swap3A_90 = arith.constant 0 : index
      %swap3A_91 = tpu.vector_load %arg8[%swap3A_89, %swap3A_90] {strides = array<i32>} : memref<800x64xf32, #tpu.memory_space<vmem>>, vector<1x16xf32>,
      %swap3A_92 = vector.shape_cast %swap3A_91 : vector<1x16xf32> to vector<16xf32>
      %swap3A_93 = vector.shape_cast %get3A_80 : vector<16xf32> to vector<1x16xf32>
      tpu.vector_store %arg8[%swap3A_89, %swap3A_90], %swap3A_93 {add = true, strides = array<i32>} : memref<800x64xf32, #tpu.memory_space<vmem>>, vector<1x16xf32>,
      %add3A_94 = arith.constant 400 : i32
      %add3A_95 = arith.addi %add3A_94, %scan3A_77 : i32
      %swap3A_96 = arith.index_cast %add3A_95 : i32 to index
      %swap3A_97 = arith.constant 0 : index
      %swap3A_98 = tpu.vector_load %arg8[%swap3A_96, %swap3A_97] {strides = array<i32>} : memref<800x64xf32, #tpu.memory_space<vmem>>, vector<1x16xf32>,
      %swap3A_99 = vector.shape_cast %swap3A_98 : vector<1x16xf32> to vector<16xf32>
      %swap3A_100 = vector.shape_cast %get3A_80 : vector<16xf32> to vector<1x16xf32>
      tpu.vector_store %arg8[%swap3A_96, %swap3A_97], %swap3A_100 {add = true, strides = array<i32>} : memref<800x64xf32, #tpu.memory_space<vmem>>, vector<1x16xf32>,
      %add3A_101 = arith.constant 600 : i32
      %add3A_102 = arith.addi %add3A_101, %scan3A_77 : i32
      %swap3A_103 = arith.index_cast %add3A_102 : i32 to index
      %swap3A_104 = arith.constant 0 : index
      %swap3A_105 = tpu.vector_load %arg8[%swap3A_103, %swap3A_104] {strides = array<i32>} : memref<800x64xf32, #tpu.memory_space<vmem>>, vector<1x16xf32>,
      %swap3A_106 = vector.shape_cast %swap3A_105 : vector<1x16xf32> to vector<16xf32>
      %swap3A_107 = vector.shape_cast %get3A_80 : vector<16xf32> to vector<1x16xf32>
      tpu.vector_store %arg8[%swap3A_103, %swap3A_104], %swap3A_107 {add = true, strides = array<i32>} : memref<800x64xf32, #tpu.memory_space<vmem>>, vector<1x16xf32>,
      %get3A_108 = arith.index_cast %scan3A_77 : i32 to index
      %get3A_109 = arith.constant 16 : index
      %get3A_110 = tpu.vector_load %arg10[%get3A_108, %get3A_109] {strides = array<i32>} : memref<200x64xf32, #tpu.memory_space<vmem>>, vector<1x16xf32>,
      %get3A_111 = vector.shape_cast %get3A_110 : vector<1x16xf32> to vector<16xf32>
      %add3A_112 = arith.constant 0 : i32
      %add3A_113 = arith.addi %add3A_112, %scan3A_77 : i32
      %swap3A_114 = arith.index_cast %add3A_113 : i32 to index
      %swap3A_115 = arith.constant 16 : index
      %swap3A_116 = tpu.vector_load %arg8[%swap3A_114, %swap3A_115] {strides = array<i32>} : memref<800x64xf32, #tpu.memory_space<vmem>>, vector<1x16xf32>,
      %swap3A_117 = vector.shape_cast %swap3A_116 : vector<1x16xf32> to vector<16xf32>
      %swap3A_118 = vector.shape_cast %get3A_111 : vector<16xf32> to vector<1x16xf32>
      tpu.vector_store %arg8[%swap3A_114, %swap3A_115], %swap3A_118 {add = true, strides = array<i32>} : memref<800x64xf32, #tpu.memory_space<vmem>>, vector<1x16xf32>,
      %add3A_119 = arith.constant 200 : i32
      %add3A_120 = arith.addi %add3A_119, %scan3A_77 : i32
      %swap3A_121 = arith.index_cast %add3A_120 : i32 to index
      %swap3A_122 = arith.constant 16 : index
      %swap3A_123 = tpu.vector_load %arg8[%swap3A_121, %swap3A_122] {strides = array<i32>} : memref<800x64xf32, #tpu.memory_space<vmem>>, vector<1x16xf32>,
      %swap3A_124 = vector.shape_cast %swap3A_123 : vector<1x16xf32> to vector<16xf32>
      %swap3A_125 = vector.shape_cast %get3A_111 : vector<16xf32> to vector<1x16xf32>
      tpu.vector_store %arg8[%swap3A_121, %swap3A_122], %swap3A_125 {add = true, strides = array<i32>} : memref<800x64xf32, #tpu.memory_space<vmem>>, vector<1x16xf32>,
      %add3A_126 = arith.constant 400 : i32
      %add3A_127 = arith.addi %add3A_126, %scan3A_77 : i32
      %swap3A_128 = arith.index_cast %add3A_127 : i32 to index
      %swap3A_129 = arith.constant 16 : index
      %swap3A_130 = tpu.vector_load %arg8[%swap3A_128, %swap3A_129] {strides = array<i32>} : memref<800x64xf32, #tpu.memory_space<vmem>>, vector<1x16xf32>,
      %swap3A_131 = vector.shape_cast %swap3A_130 : vector<1x16xf32> to vector<16xf32>
      %swap3A_132 = vector.shape_cast %get3A_111 : vector<16xf32> to vector<1x16xf32>
      tpu.vector_store %arg8[%swap3A_128, %swap3A_129], %swap3A_132 {add = true, strides = array<i32>} : memref<800x64xf32, #tpu.memory_space<vmem>>, vector<1x16xf32>,
      %add3A_133 = arith.constant 600 : i32
      %add3A_134 = arith.addi %add3A_133, %scan3A_77 : i32
      %swap3A_135 = arith.index_cast %add3A_134 : i32 to index
      %swap3A_136 = arith.constant 16 : index
      %swap3A_137 = tpu.vector_load %arg8[%swap3A_135, %swap3A_136] {strides = array<i32>} : memref<800x64xf32, #tpu.memory_space<vmem>>, vector<1x16xf32>,
      %swap3A_138 = vector.shape_cast %swap3A_137 : vector<1x16xf32> to vector<16xf32>
      %swap3A_139 = vector.shape_cast %get3A_111 : vector<16xf32> to vector<1x16xf32>
      tpu.vector_store %arg8[%swap3A_135, %swap3A_136], %swap3A_139 {add = true, strides = array<i32>} : memref<800x64xf32, #tpu.memory_space<vmem>>, vector<1x16xf32>,
      %get3A_140 = arith.index_cast %scan3A_77 : i32 to index
      %get3A_141 = arith.constant 32 : index
      %get3A_142 = tpu.vector_load %arg10[%get3A_140, %get3A_141] {strides = array<i32>} : memref<200x64xf32, #tpu.memory_space<vmem>>, vector<1x16xf32>,
      %get3A_143 = vector.shape_cast %get3A_142 : vector<1x16xf32> to vector<16xf32>
      %add3A_144 = arith.constant 0 : i32
      %add3A_145 = arith.addi %add3A_144, %scan3A_77 : i32
      %swap3A_146 = arith.index_cast %add3A_145 : i32 to index
      %swap3A_147 = arith.constant 32 : index
      %swap3A_148 = tpu.vector_load %arg8[%swap3A_146, %swap3A_147] {strides = array<i32>} : memref<800x64xf32, #tpu.memory_space<vmem>>, vector<1x16xf32>,
      %swap3A_149 = vector.shape_cast %swap3A_148 : vector<1x16xf32> to vector<16xf32>
      %swap3A_150 = vector.shape_cast %get3A_143 : vector<16xf32> to vector<1x16xf32>
      tpu.vector_store %arg8[%swap3A_146, %swap3A_147], %swap3A_150 {add = true, strides = array<i32>} : memref<800x64xf32, #tpu.memory_space<vmem>>, vector<1x16xf32>,
      %add3A_151 = arith.constant 200 : i32
      %add3A_152 = arith.addi %add3A_151, %scan3A_77 : i32
      %swap3A_153 = arith.index_cast %add3A_152 : i32 to index
      %swap3A_154 = arith.constant 32 : index
      %swap3A_155 = tpu.vector_load %arg8[%swap3A_153, %swap3A_154] {strides = array<i32>} : memref<800x64xf32, #tpu.memory_space<vmem>>, vector<1x16xf32>,
      %swap3A_156 = vector.shape_cast %swap3A_155 : vector<1x16xf32> to vector<16xf32>
      %swap3A_157 = vector.shape_cast %get3A_143 : vector<16xf32> to vector<1x16xf32>
      tpu.vector_store %arg8[%swap3A_153, %swap3A_154], %swap3A_157 {add = true, strides = array<i32>} : memref<800x64xf32, #tpu.memory_space<vmem>>, vector<1x16xf32>,
      %add3A_158 = arith.constant 400 : i32
      %add3A_159 = arith.addi %add3A_158, %scan3A_77 : i32
      %swap3A_160 = arith.index_cast %add3A_159 : i32 to index
      %swap3A_161 = arith.constant 32 : index
      %swap3A_162 = tpu.vector_load %arg8[%swap3A_160, %swap3A_161] {strides = array<i32>} : memref<800x64xf32, #tpu.memory_space<vmem>>, vector<1x16xf32>,
      %swap3A_163 = vector.shape_cast %swap3A_162 : vector<1x16xf32> to vector<16xf32>
      %swap3A_164 = vector.shape_cast %get3A_143 : vector<16xf32> to vector<1x16xf32>
      tpu.vector_store %arg8[%swap3A_160, %swap3A_161], %swap3A_164 {add = true, strides = array<i32>} : memref<800x64xf32, #tpu.memory_space<vmem>>, vector<1x16xf32>,
      %add3A_165 = arith.constant 600 : i32
      %add3A_166 = arith.addi %add3A_165, %scan3A_77 : i32
      %swap3A_167 = arith.index_cast %add3A_166 : i32 to index
      %swap3A_168 = arith.constant 32 : index
      %swap3A_169 = tpu.vector_load %arg8[%swap3A_167, %swap3A_168] {strides = array<i32>} : memref<800x64xf32, #tpu.memory_space<vmem>>, vector<1x16xf32>,
      %swap3A_170 = vector.shape_cast %swap3A_169 : vector<1x16xf32> to vector<16xf32>
      %swap3A_171 = vector.shape_cast %get3A_143 : vector<16xf32> to vector<1x16xf32>
      tpu.vector_store %arg8[%swap3A_167, %swap3A_168], %swap3A_171 {add = true, strides = array<i32>} : memref<800x64xf32, #tpu.memory_space<vmem>>, vector<1x16xf32>,
      %get3A_172 = arith.index_cast %scan3A_77 : i32 to index
      %get3A_173 = arith.constant 48 : index
      %get3A_174 = tpu.vector_load %arg10[%get3A_172, %get3A_173] {strides = array<i32>} : memref<200x64xf32, #tpu.memory_space<vmem>>, vector<1x16xf32>,
      %get3A_175 = vector.shape_cast %get3A_174 : vector<1x16xf32> to vector<16xf32>
      %add3A_176 = arith.constant 0 : i32
      %add3A_177 = arith.addi %add3A_176, %scan3A_77 : i32
      %swap3A_178 = arith.index_cast %add3A_177 : i32 to index
      %swap3A_179 = arith.constant 48 : index
      %swap3A_180 = tpu.vector_load %arg8[%swap3A_178, %swap3A_179] {strides = array<i32>} : memref<800x64xf32, #tpu.memory_space<vmem>>, vector<1x16xf32>,
      %swap3A_181 = vector.shape_cast %swap3A_180 : vector<1x16xf32> to vector<16xf32>
      %swap3A_182 = vector.shape_cast %get3A_175 : vector<16xf32> to vector<1x16xf32>
      tpu.vector_store %arg8[%swap3A_178, %swap3A_179], %swap3A_182 {add = true, strides = array<i32>} : memref<800x64xf32, #tpu.memory_space<vmem>>, vector<1x16xf32>,
      %add3A_183 = arith.constant 200 : i32
      %add3A_184 = arith.addi %add3A_183, %scan3A_77 : i32
      %swap3A_185 = arith.index_cast %add3A_184 : i32 to index
      %swap3A_186 = arith.constant 48 : index
      %swap3A_187 = tpu.vector_load %arg8[%swap3A_185, %swap3A_186] {strides = array<i32>} : memref<800x64xf32, #tpu.memory_space<vmem>>, vector<1x16xf32>,
      %swap3A_188 = vector.shape_cast %swap3A_187 : vector<1x16xf32> to vector<16xf32>
      %swap3A_189 = vector.shape_cast %get3A_175 : vector<16xf32> to vector<1x16xf32>
      tpu.vector_store %arg8[%swap3A_185, %swap3A_186], %swap3A_189 {add = true, strides = array<i32>} : memref<800x64xf32, #tpu.memory_space<vmem>>, vector<1x16xf32>,
      %add3A_190 = arith.constant 400 : i32
      %add3A_191 = arith.addi %add3A_190, %scan3A_77 : i32
      %swap3A_192 = arith.index_cast %add3A_191 : i32 to index
      %swap3A_193 = arith.constant 48 : index
      %swap3A_194 = tpu.vector_load %arg8[%swap3A_192, %swap3A_193] {strides = array<i32>} : memref<800x64xf32, #tpu.memory_space<vmem>>, vector<1x16xf32>,
      %swap3A_195 = vector.shape_cast %swap3A_194 : vector<1x16xf32> to vector<16xf32>
      %swap3A_196 = vector.shape_cast %get3A_175 : vector<16xf32> to vector<1x16xf32>
      tpu.vector_store %arg8[%swap3A_192, %swap3A_193], %swap3A_196 {add = true, strides = array<i32>} : memref<800x64xf32, #tpu.memory_space<vmem>>, vector<1x16xf32>,
      %add3A_197 = arith.constant 600 : i32
      %add3A_198 = arith.addi %add3A_197, %scan3A_77 : i32
      %swap3A_199 = arith.index_cast %add3A_198 : i32 to index
      %swap3A_200 = arith.constant 48 : index
      %swap3A_201 = tpu.vector_load %arg8[%swap3A_199, %swap3A_200] {strides = array<i32>} : memref<800x64xf32, #tpu.memory_space<vmem>>, vector<1x16xf32>,
      %swap3A_202 = vector.shape_cast %swap3A_201 : vector<1x16xf32> to vector<16xf32>
      %swap3A_203 = vector.shape_cast %get3A_175 : vector<16xf32> to vector<1x16xf32>
      tpu.vector_store %arg8[%swap3A_199, %swap3A_200], %swap3A_203 {add = true, strides = array<i32>} : memref<800x64xf32, #tpu.memory_space<vmem>>, vector<1x16xf32>,
    }
    %scan3A_33 = arith.constant 200 : i32
    %add3A_34 = arith.constant 0 : i32
    %add3A_35 = arith.addi %mul3A_2, %add3A_34 : i32
    %multiple_of3A_36 = tpu.assume_multiple %add3A_35, 800 : i32
    %dma_start3A_37 = arith.constant 0 : i32
    %dma_start3A_38 = tpu.memref_slice %arg5[%multiple_of3A_36, %dma_start3A_37] : memref<819200x64xf32, #tpu.memory_space<hbm>> -> memref<800x64xf32, #tpu.memory_space<hbm>>
    %dma_start3A_39 = arith.constant 0 : i32
    %dma_start3A_40 = tpu.memref_slice %arg5[%multiple_of3A_36, %dma_start3A_39] : memref<819200x64xf32, #tpu.memory_space<hbm>> -> memref<800x64xf32, #tpu.memory_space<hbm>>
    tpu.enqueue_dma source(%arg8 : memref<800x64xf32, #tpu.memory_space<vmem>>) target(%dma_start3A_40 : memref<800x64xf32, #tpu.memory_space<hbm>>) target_semaphore(%arg15 : memref<!tpu.dma_semaphore, #tpu.memory_space<semaphore_mem>>)
    %scan3A_41 = arith.constant 0 : i32
    %scan3A_42 = arith.constant 0 : i32
    %scan3A_43 = arith.constant 15 : i32
    %scan3A_44 = arith.addi %scan3A_42, %scan3A_43 : i32
    %scan3A_45 = arith.constant 1 : i32
    scf.for %scan3A_77 = %scan3A_42 to %scan3A_44 step %scan3A_45  : i32 {
      %mul3A_78 = arith.constant 2 : i32
      %mul3A_79 = arith.muli %scan3A_77, %mul3A_78 : i32
      %add3A_80 = arith.constant 1 : i32
      %add3A_81 = arith.addi %add3A_80, %mul3A_79 : i32
      %dma_wait3A_82 = arith.constant 0 : i32
      %dma_wait3A_83 = arith.constant 0 : i32
      %dma_wait3A_84 = tpu.memref_slice %arg3[%dma_wait3A_82, %dma_wait3A_83] : memref<100000x64xf32, #tpu.memory_space<hbm>> -> memref<100000x64xf32, #tpu.memory_space<hbm>>
      tpu.wait_indirect_dma semaphore(%arg14 : memref<!tpu.dma_semaphore, #tpu.memory_space<semaphore_mem>>) src(%dma_wait3A_84 : memref<100000x64xf32, #tpu.memory_space<hbm>>) dst(%arg9 : memref<800x64xf32, #tpu.memory_space<vmem>>)
      %sub3A = arith.constant 1 : i32
      %sub3A_85 = arith.subi %add3A_81, %sub3A : i32
      %mul3A_86 = arith.constant 800 : i32
      %mul3A_87 = arith.muli %sub3A_85, %mul3A_86 : i32
      %add3A_88 = arith.addi %mul3A_2, %mul3A_87 : i32
      %multiple_of3A_89 = tpu.assume_multiple %add3A_88, 800 : i32
      %dma_wait3A_90 = arith.constant 0 : i32
      %dma_wait3A_91 = tpu.memref_slice %arg5[%multiple_of3A_89, %dma_wait3A_90] : memref<819200x64xf32, #tpu.memory_space<hbm>> -> memref<800x64xf32, #tpu.memory_space<hbm>>
      %dma_wait3A_92 = arith.constant 0 : i32
      %dma_wait3A_93 = tpu.memref_slice %arg5[%multiple_of3A_89, %dma_wait3A_92] : memref<819200x64xf32, #tpu.memory_space<hbm>> -> memref<800x64xf32, #tpu.memory_space<hbm>>
      tpu.wait_dma2 semaphore(%arg15 : memref<!tpu.dma_semaphore, #tpu.memory_space<semaphore_mem>>) src(%arg8 : memref<800x64xf32, #tpu.memory_space<vmem>>) dst(%dma_wait3A_93 : memref<800x64xf32, #tpu.memory_space<hbm>>)
      %add3A_94 = arith.constant 1 : i32
      %add3A_95 = arith.addi %add3A_81, %add3A_94 : i32
      %mul3A_96 = arith.constant 800 : i32
      %mul3A_97 = arith.muli %add3A_95, %mul3A_96 : i32
      %add3A_98 = arith.addi %mul3A_2, %mul3A_97 : i32
      %multiple_of3A_99 = tpu.assume_multiple %add3A_98, 800 : i32
      %dma_start3A_100 = tpu.memref_slice %arg2[%multiple_of3A_99] : memref<819200xi32, #tpu.memory_space<hbm>> -> memref<800xi32, #tpu.memory_space<hbm>>
      %dma_start3A_101 = tpu.memref_slice %arg2[%multiple_of3A_99] : memref<819200xi32, #tpu.memory_space<hbm>> -> memref<800xi32, #tpu.memory_space<hbm>>
      tpu.enqueue_dma source(%dma_start3A_101 : memref<800xi32, #tpu.memory_space<hbm>>) target(%arg6 : memref<800xi32, #tpu.memory_space<vmem>>) target_semaphore(%arg11 : memref<!tpu.dma_semaphore, #tpu.memory_space<semaphore_mem>>)
      %mul3A_102 = arith.constant 800 : i32
      %mul3A_103 = arith.muli %add3A_95, %mul3A_102 : i32
      %add3A_104 = arith.addi %mul3A_2, %mul3A_103 : i32
      %multiple_of3A_105 = tpu.assume_multiple %add3A_104, 800 : i32
      %dma_wait3A_106 = tpu.memref_slice %arg2[%multiple_of3A_105] : memref<819200xi32, #tpu.memory_space<hbm>> -> memref<800xi32, #tpu.memory_space<hbm>>
      %dma_wait3A_107 = tpu.memref_slice %arg2[%multiple_of3A_105] : memref<819200xi32, #tpu.memory_space<hbm>> -> memref<800xi32, #tpu.memory_space<hbm>>
      tpu.wait_dma2 semaphore(%arg11 : memref<!tpu.dma_semaphore, #tpu.memory_space<semaphore_mem>>) src(%dma_wait3A_107 : memref<800xi32, #tpu.memory_space<hbm>>) dst(%arg6 : memref<800xi32, #tpu.memory_space<vmem>>)
      %dma_start3A_108 = arith.constant 0 : i32
      %dma_start3A_109 = arith.constant 0 : i32
      %dma_start3A_110 = tpu.memref_slice %arg3[%dma_start3A_108, %dma_start3A_109] : memref<100000x64xf32, #tpu.memory_space<hbm>> -> memref<100000x64xf32, #tpu.memory_space<hbm>>
      tpu.enqueue_indirect_dma source(%dma_start3A_110 : memref<100000x64xf32, #tpu.memory_space<hbm>>) target(%arg8 : memref<800x64xf32, #tpu.memory_space<vmem>>) offsets(%arg6 : memref<800xi32, #tpu.memory_space<vmem>>) semaphore(%arg13 : memref<!tpu.dma_semaphore, #tpu.memory_space<semaphore_mem>>)
      %scan3A_111 = arith.constant 0 : i32
      %scan3A_112 = arith.constant 0 : i32
      %scan3A_113 = arith.constant 200 : i32
      %scan3A_114 = arith.addi %scan3A_112, %scan3A_113 : i32
      %scan3A_115 = arith.constant 1 : i32
      scf.for %scan3A_171 = %scan3A_112 to %scan3A_114 step %scan3A_115  : i32 {
        %get3A = arith.index_cast %scan3A_171 : i32 to index
        %get3A_172 = arith.constant 0 : index
        %get3A_173 = tpu.vector_load %arg10[%get3A, %get3A_172] {strides = array<i32>} : memref<200x64xf32, #tpu.memory_space<vmem>>, vector<1x16xf32>,
        %get3A_174 = vector.shape_cast %get3A_173 : vector<1x16xf32> to vector<16xf32>
        %add3A_175 = arith.constant 0 : i32
        %add3A_176 = arith.addi %add3A_175, %scan3A_171 : i32
        %swap3A = arith.index_cast %add3A_176 : i32 to index
        %swap3A_177 = arith.constant 0 : index
        %swap3A_178 = tpu.vector_load %arg9[%swap3A, %swap3A_177] {strides = array<i32>} : memref<800x64xf32, #tpu.memory_space<vmem>>, vector<1x16xf32>,
        %swap3A_179 = vector.shape_cast %swap3A_178 : vector<1x16xf32> to vector<16xf32>
        %swap3A_180 = vector.shape_cast %get3A_174 : vector<16xf32> to vector<1x16xf32>
        tpu.vector_store %arg9[%swap3A, %swap3A_177], %swap3A_180 {add = true, strides = array<i32>} : memref<800x64xf32, #tpu.memory_space<vmem>>, vector<1x16xf32>,
        %add3A_181 = arith.constant 200 : i32
        %add3A_182 = arith.addi %add3A_181, %scan3A_171 : i32
        %swap3A_183 = arith.index_cast %add3A_182 : i32 to index
        %swap3A_184 = arith.constant 0 : index
        %swap3A_185 = tpu.vector_load %arg9[%swap3A_183, %swap3A_184] {strides = array<i32>} : memref<800x64xf32, #tpu.memory_space<vmem>>, vector<1x16xf32>,
        %swap3A_186 = vector.shape_cast %swap3A_185 : vector<1x16xf32> to vector<16xf32>
        %swap3A_187 = vector.shape_cast %get3A_174 : vector<16xf32> to vector<1x16xf32>
        tpu.vector_store %arg9[%swap3A_183, %swap3A_184], %swap3A_187 {add = true, strides = array<i32>} : memref<800x64xf32, #tpu.memory_space<vmem>>, vector<1x16xf32>,
        %add3A_188 = arith.constant 400 : i32
        %add3A_189 = arith.addi %add3A_188, %scan3A_171 : i32
        %swap3A_190 = arith.index_cast %add3A_189 : i32 to index
        %swap3A_191 = arith.constant 0 : index
        %swap3A_192 = tpu.vector_load %arg9[%swap3A_190, %swap3A_191] {strides = array<i32>} : memref<800x64xf32, #tpu.memory_space<vmem>>, vector<1x16xf32>,
        %swap3A_193 = vector.shape_cast %swap3A_192 : vector<1x16xf32> to vector<16xf32>
        %swap3A_194 = vector.shape_cast %get3A_174 : vector<16xf32> to vector<1x16xf32>
        tpu.vector_store %arg9[%swap3A_190, %swap3A_191], %swap3A_194 {add = true, strides = array<i32>} : memref<800x64xf32, #tpu.memory_space<vmem>>, vector<1x16xf32>,
        %add3A_195 = arith.constant 600 : i32
        %add3A_196 = arith.addi %add3A_195, %scan3A_171 : i32
        %swap3A_197 = arith.index_cast %add3A_196 : i32 to index
        %swap3A_198 = arith.constant 0 : index
        %swap3A_199 = tpu.vector_load %arg9[%swap3A_197, %swap3A_198] {strides = array<i32>} : memref<800x64xf32, #tpu.memory_space<vmem>>, vector<1x16xf32>,
        %swap3A_200 = vector.shape_cast %swap3A_199 : vector<1x16xf32> to vector<16xf32>
        %swap3A_201 = vector.shape_cast %get3A_174 : vector<16xf32> to vector<1x16xf32>
        tpu.vector_store %arg9[%swap3A_197, %swap3A_198], %swap3A_201 {add = true, strides = array<i32>} : memref<800x64xf32, #tpu.memory_space<vmem>>, vector<1x16xf32>,
        %get3A_202 = arith.index_cast %scan3A_171 : i32 to index
        %get3A_203 = arith.constant 16 : index
        %get3A_204 = tpu.vector_load %arg10[%get3A_202, %get3A_203] {strides = array<i32>} : memref<200x64xf32, #tpu.memory_space<vmem>>, vector<1x16xf32>,
        %get3A_205 = vector.shape_cast %get3A_204 : vector<1x16xf32> to vector<16xf32>
        %add3A_206 = arith.constant 0 : i32
        %add3A_207 = arith.addi %add3A_206, %scan3A_171 : i32
        %swap3A_208 = arith.index_cast %add3A_207 : i32 to index
        %swap3A_209 = arith.constant 16 : index
        %swap3A_210 = tpu.vector_load %arg9[%swap3A_208, %swap3A_209] {strides = array<i32>} : memref<800x64xf32, #tpu.memory_space<vmem>>, vector<1x16xf32>,
        %swap3A_211 = vector.shape_cast %swap3A_210 : vector<1x16xf32> to vector<16xf32>
        %swap3A_212 = vector.shape_cast %get3A_205 : vector<16xf32> to vector<1x16xf32>
        tpu.vector_store %arg9[%swap3A_208, %swap3A_209], %swap3A_212 {add = true, strides = array<i32>} : memref<800x64xf32, #tpu.memory_space<vmem>>, vector<1x16xf32>,
        %add3A_213 = arith.constant 200 : i32
        %add3A_214 = arith.addi %add3A_213, %scan3A_171 : i32
        %swap3A_215 = arith.index_cast %add3A_214 : i32 to index
        %swap3A_216 = arith.constant 16 : index
        %swap3A_217 = tpu.vector_load %arg9[%swap3A_215, %swap3A_216] {strides = array<i32>} : memref<800x64xf32, #tpu.memory_space<vmem>>, vector<1x16xf32>,
        %swap3A_218 = vector.shape_cast %swap3A_217 : vector<1x16xf32> to vector<16xf32>
        %swap3A_219 = vector.shape_cast %get3A_205 : vector<16xf32> to vector<1x16xf32>
        tpu.vector_store %arg9[%swap3A_215, %swap3A_216], %swap3A_219 {add = true, strides = array<i32>} : memref<800x64xf32, #tpu.memory_space<vmem>>, vector<1x16xf32>,
        %add3A_220 = arith.constant 400 : i32
        %add3A_221 = arith.addi %add3A_220, %scan3A_171 : i32
        %swap3A_222 = arith.index_cast %add3A_221 : i32 to index
        %swap3A_223 = arith.constant 16 : index
        %swap3A_224 = tpu.vector_load %arg9[%swap3A_222, %swap3A_223] {strides = array<i32>} : memref<800x64xf32, #tpu.memory_space<vmem>>, vector<1x16xf32>,
        %swap3A_225 = vector.shape_cast %swap3A_224 : vector<1x16xf32> to vector<16xf32>
        %swap3A_226 = vector.shape_cast %get3A_205 : vector<16xf32> to vector<1x16xf32>
        tpu.vector_store %arg9[%swap3A_222, %swap3A_223], %swap3A_226 {add = true, strides = array<i32>} : memref<800x64xf32, #tpu.memory_space<vmem>>, vector<1x16xf32>,
        %add3A_227 = arith.constant 600 : i32
        %add3A_228 = arith.addi %add3A_227, %scan3A_171 : i32
        %swap3A_229 = arith.index_cast %add3A_228 : i32 to index
        %swap3A_230 = arith.constant 16 : index
        %swap3A_231 = tpu.vector_load %arg9[%swap3A_229, %swap3A_230] {strides = array<i32>} : memref<800x64xf32, #tpu.memory_space<vmem>>, vector<1x16xf32>,
        %swap3A_232 = vector.shape_cast %swap3A_231 : vector<1x16xf32> to vector<16xf32>
        %swap3A_233 = vector.shape_cast %get3A_205 : vector<16xf32> to vector<1x16xf32>
        tpu.vector_store %arg9[%swap3A_229, %swap3A_230], %swap3A_233 {add = true, strides = array<i32>} : memref<800x64xf32, #tpu.memory_space<vmem>>, vector<1x16xf32>,
        %get3A_234 = arith.index_cast %scan3A_171 : i32 to index
        %get3A_235 = arith.constant 32 : index
        %get3A_236 = tpu.vector_load %arg10[%get3A_234, %get3A_235] {strides = array<i32>} : memref<200x64xf32, #tpu.memory_space<vmem>>, vector<1x16xf32>,
        %get3A_237 = vector.shape_cast %get3A_236 : vector<1x16xf32> to vector<16xf32>
        %add3A_238 = arith.constant 0 : i32
        %add3A_239 = arith.addi %add3A_238, %scan3A_171 : i32
        %swap3A_240 = arith.index_cast %add3A_239 : i32 to index
        %swap3A_241 = arith.constant 32 : index
        %swap3A_242 = tpu.vector_load %arg9[%swap3A_240, %swap3A_241] {strides = array<i32>} : memref<800x64xf32, #tpu.memory_space<vmem>>, vector<1x16xf32>,
        %swap3A_243 = vector.shape_cast %swap3A_242 : vector<1x16xf32> to vector<16xf32>
        %swap3A_244 = vector.shape_cast %get3A_237 : vector<16xf32> to vector<1x16xf32>
        tpu.vector_store %arg9[%swap3A_240, %swap3A_241], %swap3A_244 {add = true, strides = array<i32>} : memref<800x64xf32, #tpu.memory_space<vmem>>, vector<1x16xf32>,
        %add3A_245 = arith.constant 200 : i32
        %add3A_246 = arith.addi %add3A_245, %scan3A_171 : i32
        %swap3A_247 = arith.index_cast %add3A_246 : i32 to index
        %swap3A_248 = arith.constant 32 : index
        %swap3A_249 = tpu.vector_load %arg9[%swap3A_247, %swap3A_248] {strides = array<i32>} : memref<800x64xf32, #tpu.memory_space<vmem>>, vector<1x16xf32>,
        %swap3A_250 = vector.shape_cast %swap3A_249 : vector<1x16xf32> to vector<16xf32>
        %swap3A_251 = vector.shape_cast %get3A_237 : vector<16xf32> to vector<1x16xf32>
        tpu.vector_store %arg9[%swap3A_247, %swap3A_248], %swap3A_251 {add = true, strides = array<i32>} : memref<800x64xf32, #tpu.memory_space<vmem>>, vector<1x16xf32>,
        %add3A_252 = arith.constant 400 : i32
        %add3A_253 = arith.addi %add3A_252, %scan3A_171 : i32
        %swap3A_254 = arith.index_cast %add3A_253 : i32 to index
        %swap3A_255 = arith.constant 32 : index
        %swap3A_256 = tpu.vector_load %arg9[%swap3A_254, %swap3A_255] {strides = array<i32>} : memref<800x64xf32, #tpu.memory_space<vmem>>, vector<1x16xf32>,
        %swap3A_257 = vector.shape_cast %swap3A_256 : vector<1x16xf32> to vector<16xf32>
        %swap3A_258 = vector.shape_cast %get3A_237 : vector<16xf32> to vector<1x16xf32>
        tpu.vector_store %arg9[%swap3A_254, %swap3A_255], %swap3A_258 {add = true, strides = array<i32>} : memref<800x64xf32, #tpu.memory_space<vmem>>, vector<1x16xf32>,
        %add3A_259 = arith.constant 600 : i32
        %add3A_260 = arith.addi %add3A_259, %scan3A_171 : i32
        %swap3A_261 = arith.index_cast %add3A_260 : i32 to index
        %swap3A_262 = arith.constant 32 : index
        %swap3A_263 = tpu.vector_load %arg9[%swap3A_261, %swap3A_262] {strides = array<i32>} : memref<800x64xf32, #tpu.memory_space<vmem>>, vector<1x16xf32>,
        %swap3A_264 = vector.shape_cast %swap3A_263 : vector<1x16xf32> to vector<16xf32>
        %swap3A_265 = vector.shape_cast %get3A_237 : vector<16xf32> to vector<1x16xf32>
        tpu.vector_store %arg9[%swap3A_261, %swap3A_262], %swap3A_265 {add = true, strides = array<i32>} : memref<800x64xf32, #tpu.memory_space<vmem>>, vector<1x16xf32>,
        %get3A_266 = arith.index_cast %scan3A_171 : i32 to index
        %get3A_267 = arith.constant 48 : index
        %get3A_268 = tpu.vector_load %arg10[%get3A_266, %get3A_267] {strides = array<i32>} : memref<200x64xf32, #tpu.memory_space<vmem>>, vector<1x16xf32>,
        %get3A_269 = vector.shape_cast %get3A_268 : vector<1x16xf32> to vector<16xf32>
        %add3A_270 = arith.constant 0 : i32
        %add3A_271 = arith.addi %add3A_270, %scan3A_171 : i32
        %swap3A_272 = arith.index_cast %add3A_271 : i32 to index
        %swap3A_273 = arith.constant 48 : index
        %swap3A_274 = tpu.vector_load %arg9[%swap3A_272, %swap3A_273] {strides = array<i32>} : memref<800x64xf32, #tpu.memory_space<vmem>>, vector<1x16xf32>,
        %swap3A_275 = vector.shape_cast %swap3A_274 : vector<1x16xf32> to vector<16xf32>
        %swap3A_276 = vector.shape_cast %get3A_269 : vector<16xf32> to vector<1x16xf32>
        tpu.vector_store %arg9[%swap3A_272, %swap3A_273], %swap3A_276 {add = true, strides = array<i32>} : memref<800x64xf32, #tpu.memory_space<vmem>>, vector<1x16xf32>,
        %add3A_277 = arith.constant 200 : i32
        %add3A_278 = arith.addi %add3A_277, %scan3A_171 : i32
        %swap3A_279 = arith.index_cast %add3A_278 : i32 to index
        %swap3A_280 = arith.constant 48 : index
        %swap3A_281 = tpu.vector_load %arg9[%swap3A_279, %swap3A_280] {strides = array<i32>} : memref<800x64xf32, #tpu.memory_space<vmem>>, vector<1x16xf32>,
        %swap3A_282 = vector.shape_cast %swap3A_281 : vector<1x16xf32> to vector<16xf32>
        %swap3A_283 = vector.shape_cast %get3A_269 : vector<16xf32> to vector<1x16xf32>
        tpu.vector_store %arg9[%swap3A_279, %swap3A_280], %swap3A_283 {add = true, strides = array<i32>} : memref<800x64xf32, #tpu.memory_space<vmem>>, vector<1x16xf32>,
        %add3A_284 = arith.constant 400 : i32
        %add3A_285 = arith.addi %add3A_284, %scan3A_171 : i32
        %swap3A_286 = arith.index_cast %add3A_285 : i32 to index
        %swap3A_287 = arith.constant 48 : index
        %swap3A_288 = tpu.vector_load %arg9[%swap3A_286, %swap3A_287] {strides = array<i32>} : memref<800x64xf32, #tpu.memory_space<vmem>>, vector<1x16xf32>,
        %swap3A_289 = vector.shape_cast %swap3A_288 : vector<1x16xf32> to vector<16xf32>
        %swap3A_290 = vector.shape_cast %get3A_269 : vector<16xf32> to vector<1x16xf32>
        tpu.vector_store %arg9[%swap3A_286, %swap3A_287], %swap3A_290 {add = true, strides = array<i32>} : memref<800x64xf32, #tpu.memory_space<vmem>>, vector<1x16xf32>,
        %add3A_291 = arith.constant 600 : i32
        %add3A_292 = arith.addi %add3A_291, %scan3A_171 : i32
        %swap3A_293 = arith.index_cast %add3A_292 : i32 to index
        %swap3A_294 = arith.constant 48 : index
        %swap3A_295 = tpu.vector_load %arg9[%swap3A_293, %swap3A_294] {strides = array<i32>} : memref<800x64xf32, #tpu.memory_space<vmem>>, vector<1x16xf32>,
        %swap3A_296 = vector.shape_cast %swap3A_295 : vector<1x16xf32> to vector<16xf32>
        %swap3A_297 = vector.shape_cast %get3A_269 : vector<16xf32> to vector<1x16xf32>
        tpu.vector_store %arg9[%swap3A_293, %swap3A_294], %swap3A_297 {add = true, strides = array<i32>} : memref<800x64xf32, #tpu.memory_space<vmem>>, vector<1x16xf32>,
      }
      %scan3A_116 = arith.constant 200 : i32
      %mul3A_117 = arith.constant 800 : i32
      %mul3A_118 = arith.muli %add3A_81, %mul3A_117 : i32
      %add3A_119 = arith.addi %mul3A_2, %mul3A_118 : i32
      %multiple_of3A_120 = tpu.assume_multiple %add3A_119, 800 : i32
      %dma_start3A_121 = arith.constant 0 : i32
      %dma_start3A_122 = tpu.memref_slice %arg5[%multiple_of3A_120, %dma_start3A_121] : memref<819200x64xf32, #tpu.memory_space<hbm>> -> memref<800x64xf32, #tpu.memory_space<hbm>>
      %dma_start3A_123 = arith.constant 0 : i32
      %dma_start3A_124 = tpu.memref_slice %arg5[%multiple_of3A_120, %dma_start3A_123] : memref<819200x64xf32, #tpu.memory_space<hbm>> -> memref<800x64xf32, #tpu.memory_space<hbm>>
      tpu.enqueue_dma source(%arg9 : memref<800x64xf32, #tpu.memory_space<vmem>>) target(%dma_start3A_124 : memref<800x64xf32, #tpu.memory_space<hbm>>) target_semaphore(%arg16 : memref<!tpu.dma_semaphore, #tpu.memory_space<semaphore_mem>>)
      %add3A_125 = arith.constant 1 : i32
      %add3A_126 = arith.addi %add3A_81, %add3A_125 : i32
      %dma_wait3A_127 = arith.constant 0 : i32
      %dma_wait3A_128 = arith.constant 0 : i32
      %dma_wait3A_129 = tpu.memref_slice %arg3[%dma_wait3A_127, %dma_wait3A_128] : memref<100000x64xf32, #tpu.memory_space<hbm>> -> memref<100000x64xf32, #tpu.memory_space<hbm>>
      tpu.wait_indirect_dma semaphore(%arg13 : memref<!tpu.dma_semaphore, #tpu.memory_space<semaphore_mem>>) src(%dma_wait3A_129 : memref<100000x64xf32, #tpu.memory_space<hbm>>) dst(%arg8 : memref<800x64xf32, #tpu.memory_space<vmem>>)
      %sub3A_130 = arith.constant 1 : i32
      %sub3A_131 = arith.subi %add3A_126, %sub3A_130 : i32
      %mul3A_132 = arith.constant 800 : i32
      %mul3A_133 = arith.muli %sub3A_131, %mul3A_132 : i32
      %add3A_134 = arith.addi %mul3A_2, %mul3A_133 : i32
      %multiple_of3A_135 = tpu.assume_multiple %add3A_134, 800 : i32
      %dma_wait3A_136 = arith.constant 0 : i32
      %dma_wait3A_137 = tpu.memref_slice %arg5[%multiple_of3A_135, %dma_wait3A_136] : memref<819200x64xf32, #tpu.memory_space<hbm>> -> memref<800x64xf32, #tpu.memory_space<hbm>>
      %dma_wait3A_138 = arith.constant 0 : i32
      %dma_wait3A_139 = tpu.memref_slice %arg5[%multiple_of3A_135, %dma_wait3A_138] : memref<819200x64xf32, #tpu.memory_space<hbm>> -> memref<800x64xf32, #tpu.memory_space<hbm>>
      tpu.wait_dma2 semaphore(%arg16 : memref<!tpu.dma_semaphore, #tpu.memory_space<semaphore_mem>>) src(%arg9 : memref<800x64xf32, #tpu.memory_space<vmem>>) dst(%dma_wait3A_139 : memref<800x64xf32, #tpu.memory_space<hbm>>)
      %add3A_140 = arith.constant 1 : i32
      %add3A_141 = arith.addi %add3A_126, %add3A_140 : i32
      %mul3A_142 = arith.constant 800 : i32
      %mul3A_143 = arith.muli %add3A_141, %mul3A_142 : i32
      %add3A_144 = arith.addi %mul3A_2, %mul3A_143 : i32
      %multiple_of3A_145 = tpu.assume_multiple %add3A_144, 800 : i32
      %dma_start3A_146 = tpu.memref_slice %arg2[%multiple_of3A_145] : memref<819200xi32, #tpu.memory_space<hbm>> -> memref<800xi32, #tpu.memory_space<hbm>>
      %dma_start3A_147 = tpu.memref_slice %arg2[%multiple_of3A_145] : memref<819200xi32, #tpu.memory_space<hbm>> -> memref<800xi32, #tpu.memory_space<hbm>>
      tpu.enqueue_dma source(%dma_start3A_147 : memref<800xi32, #tpu.memory_space<hbm>>) target(%arg7 : memref<800xi32, #tpu.memory_space<vmem>>) target_semaphore(%arg12 : memref<!tpu.dma_semaphore, #tpu.memory_space<semaphore_mem>>)
      %mul3A_148 = arith.constant 800 : i32
      %mul3A_149 = arith.muli %add3A_141, %mul3A_148 : i32
      %add3A_150 = arith.addi %mul3A_2, %mul3A_149 : i32
      %multiple_of3A_151 = tpu.assume_multiple %add3A_150, 800 : i32
      %dma_wait3A_152 = tpu.memref_slice %arg2[%multiple_of3A_151] : memref<819200xi32, #tpu.memory_space<hbm>> -> memref<800xi32, #tpu.memory_space<hbm>>
      %dma_wait3A_153 = tpu.memref_slice %arg2[%multiple_of3A_151] : memref<819200xi32, #tpu.memory_space<hbm>> -> memref<800xi32, #tpu.memory_space<hbm>>
      tpu.wait_dma2 semaphore(%arg12 : memref<!tpu.dma_semaphore, #tpu.memory_space<semaphore_mem>>) src(%dma_wait3A_153 : memref<800xi32, #tpu.memory_space<hbm>>) dst(%arg7 : memref<800xi32, #tpu.memory_space<vmem>>)
      %dma_start3A_154 = arith.constant 0 : i32
      %dma_start3A_155 = arith.constant 0 : i32
      %dma_start3A_156 = tpu.memref_slice %arg3[%dma_start3A_154, %dma_start3A_155] : memref<100000x64xf32, #tpu.memory_space<hbm>> -> memref<100000x64xf32, #tpu.memory_space<hbm>>
      tpu.enqueue_indirect_dma source(%dma_start3A_156 : memref<100000x64xf32, #tpu.memory_space<hbm>>) target(%arg9 : memref<800x64xf32, #tpu.memory_space<vmem>>) offsets(%arg7 : memref<800xi32, #tpu.memory_space<vmem>>) semaphore(%arg14 : memref<!tpu.dma_semaphore, #tpu.memory_space<semaphore_mem>>)
      %scan3A_157 = arith.constant 0 : i32
      %scan3A_158 = arith.constant 0 : i32
      %scan3A_159 = arith.constant 200 : i32
      %scan3A_160 = arith.addi %scan3A_158, %scan3A_159 : i32
      %scan3A_161 = arith.constant 1 : i32
      scf.for %scan3A_171 = %scan3A_158 to %scan3A_160 step %scan3A_161  : i32 {
        %get3A = arith.index_cast %scan3A_171 : i32 to index
        %get3A_172 = arith.constant 0 : index
        %get3A_173 = tpu.vector_load %arg10[%get3A, %get3A_172] {strides = array<i32>} : memref<200x64xf32, #tpu.memory_space<vmem>>, vector<1x16xf32>,
        %get3A_174 = vector.shape_cast %get3A_173 : vector<1x16xf32> to vector<16xf32>
        %add3A_175 = arith.constant 0 : i32
        %add3A_176 = arith.addi %add3A_175, %scan3A_171 : i32
        %swap3A = arith.index_cast %add3A_176 : i32 to index
        %swap3A_177 = arith.constant 0 : index
        %swap3A_178 = tpu.vector_load %arg8[%swap3A, %swap3A_177] {strides = array<i32>} : memref<800x64xf32, #tpu.memory_space<vmem>>, vector<1x16xf32>,
        %swap3A_179 = vector.shape_cast %swap3A_178 : vector<1x16xf32> to vector<16xf32>
        %swap3A_180 = vector.shape_cast %get3A_174 : vector<16xf32> to vector<1x16xf32>
        tpu.vector_store %arg8[%swap3A, %swap3A_177], %swap3A_180 {add = true, strides = array<i32>} : memref<800x64xf32, #tpu.memory_space<vmem>>, vector<1x16xf32>,
        %add3A_181 = arith.constant 200 : i32
        %add3A_182 = arith.addi %add3A_181, %scan3A_171 : i32
        %swap3A_183 = arith.index_cast %add3A_182 : i32 to index
        %swap3A_184 = arith.constant 0 : index
        %swap3A_185 = tpu.vector_load %arg8[%swap3A_183, %swap3A_184] {strides = array<i32>} : memref<800x64xf32, #tpu.memory_space<vmem>>, vector<1x16xf32>,
        %swap3A_186 = vector.shape_cast %swap3A_185 : vector<1x16xf32> to vector<16xf32>
        %swap3A_187 = vector.shape_cast %get3A_174 : vector<16xf32> to vector<1x16xf32>
        tpu.vector_store %arg8[%swap3A_183, %swap3A_184], %swap3A_187 {add = true, strides = array<i32>} : memref<800x64xf32, #tpu.memory_space<vmem>>, vector<1x16xf32>,
        %add3A_188 = arith.constant 400 : i32
        %add3A_189 = arith.addi %add3A_188, %scan3A_171 : i32
        %swap3A_190 = arith.index_cast %add3A_189 : i32 to index
        %swap3A_191 = arith.constant 0 : index
        %swap3A_192 = tpu.vector_load %arg8[%swap3A_190, %swap3A_191] {strides = array<i32>} : memref<800x64xf32, #tpu.memory_space<vmem>>, vector<1x16xf32>,
        %swap3A_193 = vector.shape_cast %swap3A_192 : vector<1x16xf32> to vector<16xf32>
        %swap3A_194 = vector.shape_cast %get3A_174 : vector<16xf32> to vector<1x16xf32>
        tpu.vector_store %arg8[%swap3A_190, %swap3A_191], %swap3A_194 {add = true, strides = array<i32>} : memref<800x64xf32, #tpu.memory_space<vmem>>, vector<1x16xf32>,
        %add3A_195 = arith.constant 600 : i32
        %add3A_196 = arith.addi %add3A_195, %scan3A_171 : i32
        %swap3A_197 = arith.index_cast %add3A_196 : i32 to index
        %swap3A_198 = arith.constant 0 : index
        %swap3A_199 = tpu.vector_load %arg8[%swap3A_197, %swap3A_198] {strides = array<i32>} : memref<800x64xf32, #tpu.memory_space<vmem>>, vector<1x16xf32>,
        %swap3A_200 = vector.shape_cast %swap3A_199 : vector<1x16xf32> to vector<16xf32>
        %swap3A_201 = vector.shape_cast %get3A_174 : vector<16xf32> to vector<1x16xf32>
        tpu.vector_store %arg8[%swap3A_197, %swap3A_198], %swap3A_201 {add = true, strides = array<i32>} : memref<800x64xf32, #tpu.memory_space<vmem>>, vector<1x16xf32>,
        %get3A_202 = arith.index_cast %scan3A_171 : i32 to index
        %get3A_203 = arith.constant 16 : index
        %get3A_204 = tpu.vector_load %arg10[%get3A_202, %get3A_203] {strides = array<i32>} : memref<200x64xf32, #tpu.memory_space<vmem>>, vector<1x16xf32>,
        %get3A_205 = vector.shape_cast %get3A_204 : vector<1x16xf32> to vector<16xf32>
        %add3A_206 = arith.constant 0 : i32
        %add3A_207 = arith.addi %add3A_206, %scan3A_171 : i32
        %swap3A_208 = arith.index_cast %add3A_207 : i32 to index
        %swap3A_209 = arith.constant 16 : index
        %swap3A_210 = tpu.vector_load %arg8[%swap3A_208, %swap3A_209] {strides = array<i32>} : memref<800x64xf32, #tpu.memory_space<vmem>>, vector<1x16xf32>,
        %swap3A_211 = vector.shape_cast %swap3A_210 : vector<1x16xf32> to vector<16xf32>
        %swap3A_212 = vector.shape_cast %get3A_205 : vector<16xf32> to vector<1x16xf32>
        tpu.vector_store %arg8[%swap3A_208, %swap3A_209], %swap3A_212 {add = true, strides = array<i32>} : memref<800x64xf32, #tpu.memory_space<vmem>>, vector<1x16xf32>,
        %add3A_213 = arith.constant 200 : i32
        %add3A_214 = arith.addi %add3A_213, %scan3A_171 : i32
        %swap3A_215 = arith.index_cast %add3A_214 : i32 to index
        %swap3A_216 = arith.constant 16 : index
        %swap3A_217 = tpu.vector_load %arg8[%swap3A_215, %swap3A_216] {strides = array<i32>} : memref<800x64xf32, #tpu.memory_space<vmem>>, vector<1x16xf32>,
        %swap3A_218 = vector.shape_cast %swap3A_217 : vector<1x16xf32> to vector<16xf32>
        %swap3A_219 = vector.shape_cast %get3A_205 : vector<16xf32> to vector<1x16xf32>
        tpu.vector_store %arg8[%swap3A_215, %swap3A_216], %swap3A_219 {add = true, strides = array<i32>} : memref<800x64xf32, #tpu.memory_space<vmem>>, vector<1x16xf32>,
        %add3A_220 = arith.constant 400 : i32
        %add3A_221 = arith.addi %add3A_220, %scan3A_171 : i32
        %swap3A_222 = arith.index_cast %add3A_221 : i32 to index
        %swap3A_223 = arith.constant 16 : index
        %swap3A_224 = tpu.vector_load %arg8[%swap3A_222, %swap3A_223] {strides = array<i32>} : memref<800x64xf32, #tpu.memory_space<vmem>>, vector<1x16xf32>,
        %swap3A_225 = vector.shape_cast %swap3A_224 : vector<1x16xf32> to vector<16xf32>
        %swap3A_226 = vector.shape_cast %get3A_205 : vector<16xf32> to vector<1x16xf32>
        tpu.vector_store %arg8[%swap3A_222, %swap3A_223], %swap3A_226 {add = true, strides = array<i32>} : memref<800x64xf32, #tpu.memory_space<vmem>>, vector<1x16xf32>,
        %add3A_227 = arith.constant 600 : i32
        %add3A_228 = arith.addi %add3A_227, %scan3A_171 : i32
        %swap3A_229 = arith.index_cast %add3A_228 : i32 to index
        %swap3A_230 = arith.constant 16 : index
        %swap3A_231 = tpu.vector_load %arg8[%swap3A_229, %swap3A_230] {strides = array<i32>} : memref<800x64xf32, #tpu.memory_space<vmem>>, vector<1x16xf32>,
        %swap3A_232 = vector.shape_cast %swap3A_231 : vector<1x16xf32> to vector<16xf32>
        %swap3A_233 = vector.shape_cast %get3A_205 : vector<16xf32> to vector<1x16xf32>
        tpu.vector_store %arg8[%swap3A_229, %swap3A_230], %swap3A_233 {add = true, strides = array<i32>} : memref<800x64xf32, #tpu.memory_space<vmem>>, vector<1x16xf32>,
        %get3A_234 = arith.index_cast %scan3A_171 : i32 to index
        %get3A_235 = arith.constant 32 : index
        %get3A_236 = tpu.vector_load %arg10[%get3A_234, %get3A_235] {strides = array<i32>} : memref<200x64xf32, #tpu.memory_space<vmem>>, vector<1x16xf32>,
        %get3A_237 = vector.shape_cast %get3A_236 : vector<1x16xf32> to vector<16xf32>
        %add3A_238 = arith.constant 0 : i32
        %add3A_239 = arith.addi %add3A_238, %scan3A_171 : i32
        %swap3A_240 = arith.index_cast %add3A_239 : i32 to index
        %swap3A_241 = arith.constant 32 : index
        %swap3A_242 = tpu.vector_load %arg8[%swap3A_240, %swap3A_241] {strides = array<i32>} : memref<800x64xf32, #tpu.memory_space<vmem>>, vector<1x16xf32>,
        %swap3A_243 = vector.shape_cast %swap3A_242 : vector<1x16xf32> to vector<16xf32>
        %swap3A_244 = vector.shape_cast %get3A_237 : vector<16xf32> to vector<1x16xf32>
        tpu.vector_store %arg8[%swap3A_240, %swap3A_241], %swap3A_244 {add = true, strides = array<i32>} : memref<800x64xf32, #tpu.memory_space<vmem>>, vector<1x16xf32>,
        %add3A_245 = arith.constant 200 : i32
        %add3A_246 = arith.addi %add3A_245, %scan3A_171 : i32
        %swap3A_247 = arith.index_cast %add3A_246 : i32 to index
        %swap3A_248 = arith.constant 32 : index
        %swap3A_249 = tpu.vector_load %arg8[%swap3A_247, %swap3A_248] {strides = array<i32>} : memref<800x64xf32, #tpu.memory_space<vmem>>, vector<1x16xf32>,
        %swap3A_250 = vector.shape_cast %swap3A_249 : vector<1x16xf32> to vector<16xf32>
        %swap3A_251 = vector.shape_cast %get3A_237 : vector<16xf32> to vector<1x16xf32>
        tpu.vector_store %arg8[%swap3A_247, %swap3A_248], %swap3A_251 {add = true, strides = array<i32>} : memref<800x64xf32, #tpu.memory_space<vmem>>, vector<1x16xf32>,
        %add3A_252 = arith.constant 400 : i32
        %add3A_253 = arith.addi %add3A_252, %scan3A_171 : i32
        %swap3A_254 = arith.index_cast %add3A_253 : i32 to index
        %swap3A_255 = arith.constant 32 : index
        %swap3A_256 = tpu.vector_load %arg8[%swap3A_254, %swap3A_255] {strides = array<i32>} : memref<800x64xf32, #tpu.memory_space<vmem>>, vector<1x16xf32>,
        %swap3A_257 = vector.shape_cast %swap3A_256 : vector<1x16xf32> to vector<16xf32>
        %swap3A_258 = vector.shape_cast %get3A_237 : vector<16xf32> to vector<1x16xf32>
        tpu.vector_store %arg8[%swap3A_254, %swap3A_255], %swap3A_258 {add = true, strides = array<i32>} : memref<800x64xf32, #tpu.memory_space<vmem>>, vector<1x16xf32>,
        %add3A_259 = arith.constant 600 : i32
        %add3A_260 = arith.addi %add3A_259, %scan3A_171 : i32
        %swap3A_261 = arith.index_cast %add3A_260 : i32 to index
        %swap3A_262 = arith.constant 32 : index
        %swap3A_263 = tpu.vector_load %arg8[%swap3A_261, %swap3A_262] {strides = array<i32>} : memref<800x64xf32, #tpu.memory_space<vmem>>, vector<1x16xf32>,
        %swap3A_264 = vector.shape_cast %swap3A_263 : vector<1x16xf32> to vector<16xf32>
        %swap3A_265 = vector.shape_cast %get3A_237 : vector<16xf32> to vector<1x16xf32>
        tpu.vector_store %arg8[%swap3A_261, %swap3A_262], %swap3A_265 {add = true, strides = array<i32>} : memref<800x64xf32, #tpu.memory_space<vmem>>, vector<1x16xf32>,
        %get3A_266 = arith.index_cast %scan3A_171 : i32 to index
        %get3A_267 = arith.constant 48 : index
        %get3A_268 = tpu.vector_load %arg10[%get3A_266, %get3A_267] {strides = array<i32>} : memref<200x64xf32, #tpu.memory_space<vmem>>, vector<1x16xf32>,
        %get3A_269 = vector.shape_cast %get3A_268 : vector<1x16xf32> to vector<16xf32>
        %add3A_270 = arith.constant 0 : i32
        %add3A_271 = arith.addi %add3A_270, %scan3A_171 : i32
        %swap3A_272 = arith.index_cast %add3A_271 : i32 to index
        %swap3A_273 = arith.constant 48 : index
        %swap3A_274 = tpu.vector_load %arg8[%swap3A_272, %swap3A_273] {strides = array<i32>} : memref<800x64xf32, #tpu.memory_space<vmem>>, vector<1x16xf32>,
        %swap3A_275 = vector.shape_cast %swap3A_274 : vector<1x16xf32> to vector<16xf32>
        %swap3A_276 = vector.shape_cast %get3A_269 : vector<16xf32> to vector<1x16xf32>
        tpu.vector_store %arg8[%swap3A_272, %swap3A_273], %swap3A_276 {add = true, strides = array<i32>} : memref<800x64xf32, #tpu.memory_space<vmem>>, vector<1x16xf32>,
        %add3A_277 = arith.constant 200 : i32
        %add3A_278 = arith.addi %add3A_277, %scan3A_171 : i32
        %swap3A_279 = arith.index_cast %add3A_278 : i32 to index
        %swap3A_280 = arith.constant 48 : index
        %swap3A_281 = tpu.vector_load %arg8[%swap3A_279, %swap3A_280] {strides = array<i32>} : memref<800x64xf32, #tpu.memory_space<vmem>>, vector<1x16xf32>,
        %swap3A_282 = vector.shape_cast %swap3A_281 : vector<1x16xf32> to vector<16xf32>
        %swap3A_283 = vector.shape_cast %get3A_269 : vector<16xf32> to vector<1x16xf32>
        tpu.vector_store %arg8[%swap3A_279, %swap3A_280], %swap3A_283 {add = true, strides = array<i32>} : memref<800x64xf32, #tpu.memory_space<vmem>>, vector<1x16xf32>,
        %add3A_284 = arith.constant 400 : i32
        %add3A_285 = arith.addi %add3A_284, %scan3A_171 : i32
        %swap3A_286 = arith.index_cast %add3A_285 : i32 to index
        %swap3A_287 = arith.constant 48 : index
        %swap3A_288 = tpu.vector_load %arg8[%swap3A_286, %swap3A_287] {strides = array<i32>} : memref<800x64xf32, #tpu.memory_space<vmem>>, vector<1x16xf32>,
        %swap3A_289 = vector.shape_cast %swap3A_288 : vector<1x16xf32> to vector<16xf32>
        %swap3A_290 = vector.shape_cast %get3A_269 : vector<16xf32> to vector<1x16xf32>
        tpu.vector_store %arg8[%swap3A_286, %swap3A_287], %swap3A_290 {add = true, strides = array<i32>} : memref<800x64xf32, #tpu.memory_space<vmem>>, vector<1x16xf32>,
        %add3A_291 = arith.constant 600 : i32
        %add3A_292 = arith.addi %add3A_291, %scan3A_171 : i32
        %swap3A_293 = arith.index_cast %add3A_292 : i32 to index
        %swap3A_294 = arith.constant 48 : index
        %swap3A_295 = tpu.vector_load %arg8[%swap3A_293, %swap3A_294] {strides = array<i32>} : memref<800x64xf32, #tpu.memory_space<vmem>>, vector<1x16xf32>,
        %swap3A_296 = vector.shape_cast %swap3A_295 : vector<1x16xf32> to vector<16xf32>
        %swap3A_297 = vector.shape_cast %get3A_269 : vector<16xf32> to vector<1x16xf32>
        tpu.vector_store %arg8[%swap3A_293, %swap3A_294], %swap3A_297 {add = true, strides = array<i32>} : memref<800x64xf32, #tpu.memory_space<vmem>>, vector<1x16xf32>,
      }
      %scan3A_162 = arith.constant 200 : i32
      %mul3A_163 = arith.constant 800 : i32
      %mul3A_164 = arith.muli %add3A_126, %mul3A_163 : i32
      %add3A_165 = arith.addi %mul3A_2, %mul3A_164 : i32
      %multiple_of3A_166 = tpu.assume_multiple %add3A_165, 800 : i32
      %dma_start3A_167 = arith.constant 0 : i32
      %dma_start3A_168 = tpu.memref_slice %arg5[%multiple_of3A_166, %dma_start3A_167] : memref<819200x64xf32, #tpu.memory_space<hbm>> -> memref<800x64xf32, #tpu.memory_space<hbm>>
      %dma_start3A_169 = arith.constant 0 : i32
      %dma_start3A_170 = tpu.memref_slice %arg5[%multiple_of3A_166, %dma_start3A_169] : memref<819200x64xf32, #tpu.memory_space<hbm>> -> memref<800x64xf32, #tpu.memory_space<hbm>>
      tpu.enqueue_dma source(%arg8 : memref<800x64xf32, #tpu.memory_space<vmem>>) target(%dma_start3A_170 : memref<800x64xf32, #tpu.memory_space<hbm>>) target_semaphore(%arg15 : memref<!tpu.dma_semaphore, #tpu.memory_space<semaphore_mem>>)
    }
    %scan3A_46 = arith.constant 15 : i32
    %dma_wait3A_47 = arith.constant 0 : i32
    %dma_wait3A_48 = arith.constant 0 : i32
    %dma_wait3A_49 = tpu.memref_slice %arg3[%dma_wait3A_47, %dma_wait3A_48] : memref<100000x64xf32, #tpu.memory_space<hbm>> -> memref<100000x64xf32, #tpu.memory_space<hbm>>
    tpu.wait_indirect_dma semaphore(%arg14 : memref<!tpu.dma_semaphore, #tpu.memory_space<semaphore_mem>>) src(%dma_wait3A_49 : memref<100000x64xf32, #tpu.memory_space<hbm>>) dst(%arg9 : memref<800x64xf32, #tpu.memory_space<vmem>>)
    %scan3A_50 = arith.constant 0 : i32
    %scan3A_51 = arith.constant 0 : i32
    %scan3A_52 = arith.constant 200 : i32
    %scan3A_53 = arith.addi %scan3A_51, %scan3A_52 : i32
    %scan3A_54 = arith.constant 1 : i32
    scf.for %scan3A_77 = %scan3A_51 to %scan3A_53 step %scan3A_54  : i32 {
      %get3A = arith.index_cast %scan3A_77 : i32 to index
      %get3A_78 = arith.constant 0 : index
      %get3A_79 = tpu.vector_load %arg10[%get3A, %get3A_78] {strides = array<i32>} : memref<200x64xf32, #tpu.memory_space<vmem>>, vector<1x16xf32>,
      %get3A_80 = vector.shape_cast %get3A_79 : vector<1x16xf32> to vector<16xf32>
      %add3A_81 = arith.constant 0 : i32
      %add3A_82 = arith.addi %add3A_81, %scan3A_77 : i32
      %swap3A = arith.index_cast %add3A_82 : i32 to index
      %swap3A_83 = arith.constant 0 : index
      %swap3A_84 = tpu.vector_load %arg9[%swap3A, %swap3A_83] {strides = array<i32>} : memref<800x64xf32, #tpu.memory_space<vmem>>, vector<1x16xf32>,
      %swap3A_85 = vector.shape_cast %swap3A_84 : vector<1x16xf32> to vector<16xf32>
      %swap3A_86 = vector.shape_cast %get3A_80 : vector<16xf32> to vector<1x16xf32>
      tpu.vector_store %arg9[%swap3A, %swap3A_83], %swap3A_86 {add = true, strides = array<i32>} : memref<800x64xf32, #tpu.memory_space<vmem>>, vector<1x16xf32>,
      %add3A_87 = arith.constant 200 : i32
      %add3A_88 = arith.addi %add3A_87, %scan3A_77 : i32
      %swap3A_89 = arith.index_cast %add3A_88 : i32 to index
      %swap3A_90 = arith.constant 0 : index
      %swap3A_91 = tpu.vector_load %arg9[%swap3A_89, %swap3A_90] {strides = array<i32>} : memref<800x64xf32, #tpu.memory_space<vmem>>, vector<1x16xf32>,
      %swap3A_92 = vector.shape_cast %swap3A_91 : vector<1x16xf32> to vector<16xf32>
      %swap3A_93 = vector.shape_cast %get3A_80 : vector<16xf32> to vector<1x16xf32>
      tpu.vector_store %arg9[%swap3A_89, %swap3A_90], %swap3A_93 {add = true, strides = array<i32>} : memref<800x64xf32, #tpu.memory_space<vmem>>, vector<1x16xf32>,
      %add3A_94 = arith.constant 400 : i32
      %add3A_95 = arith.addi %add3A_94, %scan3A_77 : i32
      %swap3A_96 = arith.index_cast %add3A_95 : i32 to index
      %swap3A_97 = arith.constant 0 : index
      %swap3A_98 = tpu.vector_load %arg9[%swap3A_96, %swap3A_97] {strides = array<i32>} : memref<800x64xf32, #tpu.memory_space<vmem>>, vector<1x16xf32>,
      %swap3A_99 = vector.shape_cast %swap3A_98 : vector<1x16xf32> to vector<16xf32>
      %swap3A_100 = vector.shape_cast %get3A_80 : vector<16xf32> to vector<1x16xf32>
      tpu.vector_store %arg9[%swap3A_96, %swap3A_97], %swap3A_100 {add = true, strides = array<i32>} : memref<800x64xf32, #tpu.memory_space<vmem>>, vector<1x16xf32>,
      %add3A_101 = arith.constant 600 : i32
      %add3A_102 = arith.addi %add3A_101, %scan3A_77 : i32
      %swap3A_103 = arith.index_cast %add3A_102 : i32 to index
      %swap3A_104 = arith.constant 0 : index
      %swap3A_105 = tpu.vector_load %arg9[%swap3A_103, %swap3A_104] {strides = array<i32>} : memref<800x64xf32, #tpu.memory_space<vmem>>, vector<1x16xf32>,
      %swap3A_106 = vector.shape_cast %swap3A_105 : vector<1x16xf32> to vector<16xf32>
      %swap3A_107 = vector.shape_cast %get3A_80 : vector<16xf32> to vector<1x16xf32>
      tpu.vector_store %arg9[%swap3A_103, %swap3A_104], %swap3A_107 {add = true, strides = array<i32>} : memref<800x64xf32, #tpu.memory_space<vmem>>, vector<1x16xf32>,
      %get3A_108 = arith.index_cast %scan3A_77 : i32 to index
      %get3A_109 = arith.constant 16 : index
      %get3A_110 = tpu.vector_load %arg10[%get3A_108, %get3A_109] {strides = array<i32>} : memref<200x64xf32, #tpu.memory_space<vmem>>, vector<1x16xf32>,
      %get3A_111 = vector.shape_cast %get3A_110 : vector<1x16xf32> to vector<16xf32>
      %add3A_112 = arith.constant 0 : i32
      %add3A_113 = arith.addi %add3A_112, %scan3A_77 : i32
      %swap3A_114 = arith.index_cast %add3A_113 : i32 to index
      %swap3A_115 = arith.constant 16 : index
      %swap3A_116 = tpu.vector_load %arg9[%swap3A_114, %swap3A_115] {strides = array<i32>} : memref<800x64xf32, #tpu.memory_space<vmem>>, vector<1x16xf32>,
      %swap3A_117 = vector.shape_cast %swap3A_116 : vector<1x16xf32> to vector<16xf32>
      %swap3A_118 = vector.shape_cast %get3A_111 : vector<16xf32> to vector<1x16xf32>
      tpu.vector_store %arg9[%swap3A_114, %swap3A_115], %swap3A_118 {add = true, strides = array<i32>} : memref<800x64xf32, #tpu.memory_space<vmem>>, vector<1x16xf32>,
      %add3A_119 = arith.constant 200 : i32
      %add3A_120 = arith.addi %add3A_119, %scan3A_77 : i32
      %swap3A_121 = arith.index_cast %add3A_120 : i32 to index
      %swap3A_122 = arith.constant 16 : index
      %swap3A_123 = tpu.vector_load %arg9[%swap3A_121, %swap3A_122] {strides = array<i32>} : memref<800x64xf32, #tpu.memory_space<vmem>>, vector<1x16xf32>,
      %swap3A_124 = vector.shape_cast %swap3A_123 : vector<1x16xf32> to vector<16xf32>
      %swap3A_125 = vector.shape_cast %get3A_111 : vector<16xf32> to vector<1x16xf32>
      tpu.vector_store %arg9[%swap3A_121, %swap3A_122], %swap3A_125 {add = true, strides = array<i32>} : memref<800x64xf32, #tpu.memory_space<vmem>>, vector<1x16xf32>,
      %add3A_126 = arith.constant 400 : i32
      %add3A_127 = arith.addi %add3A_126, %scan3A_77 : i32
      %swap3A_128 = arith.index_cast %add3A_127 : i32 to index
      %swap3A_129 = arith.constant 16 : index
      %swap3A_130 = tpu.vector_load %arg9[%swap3A_128, %swap3A_129] {strides = array<i32>} : memref<800x64xf32, #tpu.memory_space<vmem>>, vector<1x16xf32>,
      %swap3A_131 = vector.shape_cast %swap3A_130 : vector<1x16xf32> to vector<16xf32>
      %swap3A_132 = vector.shape_cast %get3A_111 : vector<16xf32> to vector<1x16xf32>
      tpu.vector_store %arg9[%swap3A_128, %swap3A_129], %swap3A_132 {add = true, strides = array<i32>} : memref<800x64xf32, #tpu.memory_space<vmem>>, vector<1x16xf32>,
      %add3A_133 = arith.constant 600 : i32
      %add3A_134 = arith.addi %add3A_133, %scan3A_77 : i32
      %swap3A_135 = arith.index_cast %add3A_134 : i32 to index
      %swap3A_136 = arith.constant 16 : index
      %swap3A_137 = tpu.vector_load %arg9[%swap3A_135, %swap3A_136] {strides = array<i32>} : memref<800x64xf32, #tpu.memory_space<vmem>>, vector<1x16xf32>,
      %swap3A_138 = vector.shape_cast %swap3A_137 : vector<1x16xf32> to vector<16xf32>
      %swap3A_139 = vector.shape_cast %get3A_111 : vector<16xf32> to vector<1x16xf32>
      tpu.vector_store %arg9[%swap3A_135, %swap3A_136], %swap3A_139 {add = true, strides = array<i32>} : memref<800x64xf32, #tpu.memory_space<vmem>>, vector<1x16xf32>,
      %get3A_140 = arith.index_cast %scan3A_77 : i32 to index
      %get3A_141 = arith.constant 32 : index
      %get3A_142 = tpu.vector_load %arg10[%get3A_140, %get3A_141] {strides = array<i32>} : memref<200x64xf32, #tpu.memory_space<vmem>>, vector<1x16xf32>,
      %get3A_143 = vector.shape_cast %get3A_142 : vector<1x16xf32> to vector<16xf32>
      %add3A_144 = arith.constant 0 : i32
      %add3A_145 = arith.addi %add3A_144, %scan3A_77 : i32
      %swap3A_146 = arith.index_cast %add3A_145 : i32 to index
      %swap3A_147 = arith.constant 32 : index
      %swap3A_148 = tpu.vector_load %arg9[%swap3A_146, %swap3A_147] {strides = array<i32>} : memref<800x64xf32, #tpu.memory_space<vmem>>, vector<1x16xf32>,
      %swap3A_149 = vector.shape_cast %swap3A_148 : vector<1x16xf32> to vector<16xf32>
      %swap3A_150 = vector.shape_cast %get3A_143 : vector<16xf32> to vector<1x16xf32>
      tpu.vector_store %arg9[%swap3A_146, %swap3A_147], %swap3A_150 {add = true, strides = array<i32>} : memref<800x64xf32, #tpu.memory_space<vmem>>, vector<1x16xf32>,
      %add3A_151 = arith.constant 200 : i32
      %add3A_152 = arith.addi %add3A_151, %scan3A_77 : i32
      %swap3A_153 = arith.index_cast %add3A_152 : i32 to index
      %swap3A_154 = arith.constant 32 : index
      %swap3A_155 = tpu.vector_load %arg9[%swap3A_153, %swap3A_154] {strides = array<i32>} : memref<800x64xf32, #tpu.memory_space<vmem>>, vector<1x16xf32>,
      %swap3A_156 = vector.shape_cast %swap3A_155 : vector<1x16xf32> to vector<16xf32>
      %swap3A_157 = vector.shape_cast %get3A_143 : vector<16xf32> to vector<1x16xf32>
      tpu.vector_store %arg9[%swap3A_153, %swap3A_154], %swap3A_157 {add = true, strides = array<i32>} : memref<800x64xf32, #tpu.memory_space<vmem>>, vector<1x16xf32>,
      %add3A_158 = arith.constant 400 : i32
      %add3A_159 = arith.addi %add3A_158, %scan3A_77 : i32
      %swap3A_160 = arith.index_cast %add3A_159 : i32 to index
      %swap3A_161 = arith.constant 32 : index
      %swap3A_162 = tpu.vector_load %arg9[%swap3A_160, %swap3A_161] {strides = array<i32>} : memref<800x64xf32, #tpu.memory_space<vmem>>, vector<1x16xf32>,
      %swap3A_163 = vector.shape_cast %swap3A_162 : vector<1x16xf32> to vector<16xf32>
      %swap3A_164 = vector.shape_cast %get3A_143 : vector<16xf32> to vector<1x16xf32>
      tpu.vector_store %arg9[%swap3A_160, %swap3A_161], %swap3A_164 {add = true, strides = array<i32>} : memref<800x64xf32, #tpu.memory_space<vmem>>, vector<1x16xf32>,
      %add3A_165 = arith.constant 600 : i32
      %add3A_166 = arith.addi %add3A_165, %scan3A_77 : i32
      %swap3A_167 = arith.index_cast %add3A_166 : i32 to index
      %swap3A_168 = arith.constant 32 : index
      %swap3A_169 = tpu.vector_load %arg9[%swap3A_167, %swap3A_168] {strides = array<i32>} : memref<800x64xf32, #tpu.memory_space<vmem>>, vector<1x16xf32>,
      %swap3A_170 = vector.shape_cast %swap3A_169 : vector<1x16xf32> to vector<16xf32>
      %swap3A_171 = vector.shape_cast %get3A_143 : vector<16xf32> to vector<1x16xf32>
      tpu.vector_store %arg9[%swap3A_167, %swap3A_168], %swap3A_171 {add = true, strides = array<i32>} : memref<800x64xf32, #tpu.memory_space<vmem>>, vector<1x16xf32>,
      %get3A_172 = arith.index_cast %scan3A_77 : i32 to index
      %get3A_173 = arith.constant 48 : index
      %get3A_174 = tpu.vector_load %arg10[%get3A_172, %get3A_173] {strides = array<i32>} : memref<200x64xf32, #tpu.memory_space<vmem>>, vector<1x16xf32>,
      %get3A_175 = vector.shape_cast %get3A_174 : vector<1x16xf32> to vector<16xf32>
      %add3A_176 = arith.constant 0 : i32
      %add3A_177 = arith.addi %add3A_176, %scan3A_77 : i32
      %swap3A_178 = arith.index_cast %add3A_177 : i32 to index
      %swap3A_179 = arith.constant 48 : index
      %swap3A_180 = tpu.vector_load %arg9[%swap3A_178, %swap3A_179] {strides = array<i32>} : memref<800x64xf32, #tpu.memory_space<vmem>>, vector<1x16xf32>,
      %swap3A_181 = vector.shape_cast %swap3A_180 : vector<1x16xf32> to vector<16xf32>
      %swap3A_182 = vector.shape_cast %get3A_175 : vector<16xf32> to vector<1x16xf32>
      tpu.vector_store %arg9[%swap3A_178, %swap3A_179], %swap3A_182 {add = true, strides = array<i32>} : memref<800x64xf32, #tpu.memory_space<vmem>>, vector<1x16xf32>,
      %add3A_183 = arith.constant 200 : i32
      %add3A_184 = arith.addi %add3A_183, %scan3A_77 : i32
      %swap3A_185 = arith.index_cast %add3A_184 : i32 to index
      %swap3A_186 = arith.constant 48 : index
      %swap3A_187 = tpu.vector_load %arg9[%swap3A_185, %swap3A_186] {strides = array<i32>} : memref<800x64xf32, #tpu.memory_space<vmem>>, vector<1x16xf32>,
      %swap3A_188 = vector.shape_cast %swap3A_187 : vector<1x16xf32> to vector<16xf32>
      %swap3A_189 = vector.shape_cast %get3A_175 : vector<16xf32> to vector<1x16xf32>
      tpu.vector_store %arg9[%swap3A_185, %swap3A_186], %swap3A_189 {add = true, strides = array<i32>} : memref<800x64xf32, #tpu.memory_space<vmem>>, vector<1x16xf32>,
      %add3A_190 = arith.constant 400 : i32
      %add3A_191 = arith.addi %add3A_190, %scan3A_77 : i32
      %swap3A_192 = arith.index_cast %add3A_191 : i32 to index
      %swap3A_193 = arith.constant 48 : index
      %swap3A_194 = tpu.vector_load %arg9[%swap3A_192, %swap3A_193] {strides = array<i32>} : memref<800x64xf32, #tpu.memory_space<vmem>>, vector<1x16xf32>,
      %swap3A_195 = vector.shape_cast %swap3A_194 : vector<1x16xf32> to vector<16xf32>
      %swap3A_196 = vector.shape_cast %get3A_175 : vector<16xf32> to vector<1x16xf32>
      tpu.vector_store %arg9[%swap3A_192, %swap3A_193], %swap3A_196 {add = true, strides = array<i32>} : memref<800x64xf32, #tpu.memory_space<vmem>>, vector<1x16xf32>,
      %add3A_197 = arith.constant 600 : i32
      %add3A_198 = arith.addi %add3A_197, %scan3A_77 : i32
      %swap3A_199 = arith.index_cast %add3A_198 : i32 to index
      %swap3A_200 = arith.constant 48 : index
      %swap3A_201 = tpu.vector_load %arg9[%swap3A_199, %swap3A_200] {strides = array<i32>} : memref<800x64xf32, #tpu.memory_space<vmem>>, vector<1x16xf32>,
      %swap3A_202 = vector.shape_cast %swap3A_201 : vector<1x16xf32> to vector<16xf32>
      %swap3A_203 = vector.shape_cast %get3A_175 : vector<16xf32> to vector<1x16xf32>
      tpu.vector_store %arg9[%swap3A_199, %swap3A_200], %swap3A_203 {add = true, strides = array<i32>} : memref<800x64xf32, #tpu.memory_space<vmem>>, vector<1x16xf32>,
    }
    %scan3A_55 = arith.constant 200 : i32
    %add3A_56 = arith.constant 24800 : i32
    %add3A_57 = arith.addi %mul3A_2, %add3A_56 : i32
    %multiple_of3A_58 = tpu.assume_multiple %add3A_57, 800 : i32
    %dma_start3A_59 = arith.constant 0 : i32
    %dma_start3A_60 = tpu.memref_slice %arg5[%multiple_of3A_58, %dma_start3A_59] : memref<819200x64xf32, #tpu.memory_space<hbm>> -> memref<800x64xf32, #tpu.memory_space<hbm>>
    %dma_start3A_61 = arith.constant 0 : i32
    %dma_start3A_62 = tpu.memref_slice %arg5[%multiple_of3A_58, %dma_start3A_61] : memref<819200x64xf32, #tpu.memory_space<hbm>> -> memref<800x64xf32, #tpu.memory_space<hbm>>
    tpu.enqueue_dma source(%arg9 : memref<800x64xf32, #tpu.memory_space<vmem>>) target(%dma_start3A_62 : memref<800x64xf32, #tpu.memory_space<hbm>>) target_semaphore(%arg16 : memref<!tpu.dma_semaphore, #tpu.memory_space<semaphore_mem>>)
    %add3A_63 = arith.constant 24000 : i32
    %add3A_64 = arith.addi %mul3A_2, %add3A_63 : i32
    %multiple_of3A_65 = tpu.assume_multiple %add3A_64, 800 : i32
    %dma_wait3A_66 = arith.constant 0 : i32
    %dma_wait3A_67 = tpu.memref_slice %arg5[%multiple_of3A_65, %dma_wait3A_66] : memref<819200x64xf32, #tpu.memory_space<hbm>> -> memref<800x64xf32, #tpu.memory_space<hbm>>
    %dma_wait3A_68 = arith.constant 0 : i32
    %dma_wait3A_69 = tpu.memref_slice %arg5[%multiple_of3A_65, %dma_wait3A_68] : memref<819200x64xf32, #tpu.memory_space<hbm>> -> memref<800x64xf32, #tpu.memory_space<hbm>>
    tpu.wait_dma2 semaphore(%arg15 : memref<!tpu.dma_semaphore, #tpu.memory_space<semaphore_mem>>) src(%arg8 : memref<800x64xf32, #tpu.memory_space<vmem>>) dst(%dma_wait3A_69 : memref<800x64xf32, #tpu.memory_space<hbm>>)
    %add3A_70 = arith.constant 24800 : i32
    %add3A_71 = arith.addi %mul3A_2, %add3A_70 : i32
    %multiple_of3A_72 = tpu.assume_multiple %add3A_71, 800 : i32
    %dma_wait3A_73 = arith.constant 0 : i32
    %dma_wait3A_74 = tpu.memref_slice %arg5[%multiple_of3A_72, %dma_wait3A_73] : memref<819200x64xf32, #tpu.memory_space<hbm>> -> memref<800x64xf32, #tpu.memory_space<hbm>>
    %dma_wait3A_75 = arith.constant 0 : i32
    %dma_wait3A_76 = tpu.memref_slice %arg5[%multiple_of3A_72, %dma_wait3A_75] : memref<819200x64xf32, #tpu.memory_space<hbm>> -> memref<800x64xf32, #tpu.memory_space<hbm>>
    tpu.wait_dma2 semaphore(%arg16 : memref<!tpu.dma_semaphore, #tpu.memory_space<semaphore_mem>>) src(%arg9 : memref<800x64xf32, #tpu.memory_space<vmem>>) dst(%dma_wait3A_76 : memref<800x64xf32, #tpu.memory_space<hbm>>)
    return
  }
}

</mosaic_0001>

<sc_bundles>
// kernel: _run.3.cloned.1.call-start
scs
__scs_entry_jumppad:
0x0: {  	(pc) =	sbr.rel $0x88, $3  }
0x1: {  	(tag) =	ssettag $0x0;
	lr =	simm.s32 $0x1  }
0x2: {  	[smem:$0x3F9E] =	sst lr;
	_ =	strace $0xD0000000  }
0x3: {  	_ = 	snop  }
0x4: {  	_ = 	snop  }
0x5: {  	_ = 	snop  }
0x6: {  	_ = 	snop  }
0x7: {  	_ = 	snop  }
__scs_overlays_trampoline_lowered:
0x8: {  	[smem:$0x3FAD] =	sst s0  }
0x9: {  	[smem:$0x3FAE] =	sst s1  }
0xa: {  	[smem:$0x3FAF] =	sst s2  }
0xb: {  	[smem:$0x3FB0] =	sst s3  }
0xc: {  	[smem:$0x3FB1] =	sst s4  }
0xd: {  	[smem:$0x3FB2] =	sst s5  }
0xe: {  	[smem:$0x3FB3] =	sst s6  }
0xf: {  	[smem:$0x3FB4] =	sst s7  }
0x10: {  	[smem:$0x3FB5] =	sst s8  }
0x11: {  	[smem:$0x3FB6] =	sst s9;
	s0 =	simm.s32 @!p0 $0x0  }
0x12: {  	s1 =	sld [smem:$0x3F9C];
	s0 =	simm.s32 @p0 $0x1  }
0x13: {  	[smem:$0x3FB7] =	sst s0;
	s0 =	simm.s32 @!p1 $0x0  }
0x14: {  	s2 =	sld [smem:$0x3F9B];
	s0 =	simm.s32 @p1 $0x1  }
0x15: {  	[smem:$0x3FB8] =	sst s0;
	s0 =	simm.s32 @!p2 $0x0  }
0x16: {  	s3 =	sld [smem:$0x3FDB];
	s0 =	simm.s32 @p2 $0x1  }
0x17: {  	s4 =	simm.s32 $0x1BF5;
	[smem:$0x3FBA] =	sst s0  }
0x18: {  	s0 =	sld [smem:$0x3F9D];
	_ =	swait.ge [sflag:s4], $0x0  }
0x19: {  	s7 =	sld [smem:$0x3F9E]  }
0x1a: {  	s8 =	sadd.s32 $0xFFFFE003, lr  }
0x1b: {  	s9 =	sadd.s32 $0xFFFFFEF7, lr;
	s5 =	simm.s32 $0xFFFFFFFF;
	p2 =	slt.u32 s8, $0xFFFFF086  }
0x1c: {  	p1 =	slt.u32 s9, $0xF7A;
	s5 =	simm.s32 @!p2 $0x0  }
0x1d: {  	s5 =	simm.s32 @p1 $0x1;
	p0 =	seq.s32 s7, s2  }
0x1e: {  	s7 =	smul.u32 @!p0 $0xF7A, s2;
	p2 =	seq.s32 @!p0 s5, $0x0  }
0x1f: {  	s9 =	smul.u32 $0xF7A, s1;
	s8 =	simm.s32 @!p0 $0x1BF5;
	p2 =	por !p2, p0  }
0x20: {  	[sflag:s8] =	ssyncset.s32 @!p0 $0xFFFFF086;
	s6 =	sadd.s32 @!p0 s3, s7;
	s7 =	simm.s32 @!p0 $0x108  }
0x21: {  	s3 =	sadd.s32 s3, s9;
	s6 =	sadd.s32 @!p0 $0x88, s6;
	s7 =	simm.s32 @p2 $0x1082  }
0x22: {  	[simem:s7], [sflag:s8] =	dma.local @!p0 [hbm:s6], $0xF7A  }
0x23: {  	s9 =	sor.u32 $0xD0000000, s2;
	s6 =	simm.s32 $0x108;
	_ =	swait.ge @!p0 [sflag:s8], $0x0  }
0x24: {  	s3 =	sadd.s32 $0x88, s3;
	s6 =	simm.s32 @!p1 $0x1082;
	[sflag:s4] =	ssyncset.s32 $0xFFFFF086  }
0x25: {  	[simem:s6], [sflag:s4] =	dma.local [hbm:s3], $0xF7A  }
0x26: {  	[smem:$0x3F9E] =	sst s1;
	(tag) =	ssettag s2;
	_ =	strace s9  }
0x27: {  	s1 =	sld [smem:$0x3FAE]  }
0x28: {  	s2 =	sld [smem:$0x3FAF]  }
0x29: {  	s4 =	sld [smem:$0x3FB1]  }
0x2a: {  	p0 =	seq.s32 s5, $0x0;
	s5 =	sld [smem:$0x3FB2]  }
0x2b: {  	s6 =	sld [smem:$0x3FB3]  }
0x2c: {  	s7 =	sld [smem:$0x3FB4]  }
0x2d: {  	s3 =	simm.s32 $0x108;
	s8 =	sld [smem:$0x3FB5]  }
0x2e: {  	s3 =	simm.s32 @!p0 $0x1082;
	s9 =	sld [smem:$0x3FB6]  }
0x2f: {  	lr =	sadd.s32 s0, s3;
	s0 =	sld [smem:$0x3FAD]  }
0x30: {  	s3 =	sld [smem:$0x3FB0]  }
0x31: {  	[smem:$0x3FB9] =	sst s10  }
0x32: {  	s10 =	sld [smem:$0x3FB7];
	_ =	sdelay $0x3  }
0x33: {  	p0 =	seq.s32 s10, $0x1;
	s10 =	sld [smem:$0x3FB9];
	_ =	sdelay $0x3  }
0x34: {  	[smem:$0x3FB9] =	sst s10  }
0x35: {  	s10 =	sld [smem:$0x3FB8];
	_ =	sdelay $0x3  }
0x36: {  	p1 =	seq.s32 s10, $0x1;
	s10 =	sld [smem:$0x3FB9];
	_ =	sdelay $0x3  }
0x37: {  	[smem:$0x3FB9] =	sst s10  }
0x38: {  	s10 =	sld [smem:$0x3FBA]  }
0x39: {  	_ = 	snop;
	(pc) =	sbr.ind lr, $3  }
0x3a: {  	_ = 	snop  }
0x3b: {  	_ = 	snop  }
0x3c: {  	p2 =	seq.s32 s10, $0x1;
	s10 =	sld [smem:$0x3FB9]  }
0x3d: {  	_ =	shalt  }
0x3e: {  	_ =	shalt  }
0x3f: {  	_ =	shalt  }
0x40: {  	_ =	shalt  }
0x41: {  	_ =	shalt  }
0x42: {  	_ =	shalt  }
0x43: {  	_ =	shalt  }
0x44: {  	_ =	shalt  }
0x45: {  	_ =	shalt  }
0x46: {  	_ =	shalt  }
0x47: {  	_ =	shalt  }
0x48: {  	_ =	shalt  }
0x49: {  	_ =	shalt  }
0x4a: {  	_ =	shalt  }
0x4b: {  	_ =	shalt  }
0x4c: {  	_ =	shalt  }
0x4d: {  	_ =	shalt  }
0x4e: {  	_ =	shalt  }
0x4f: {  	_ =	shalt  }
0x50: {  	_ =	shalt  }
0x51: {  	_ =	shalt  }
0x52: {  	_ =	shalt  }
0x53: {  	_ =	shalt  }
0x54: {  	_ =	shalt  }
0x55: {  	_ =	shalt  }
0x56: {  	_ =	shalt  }
0x57: {  	_ =	shalt  }
0x58: {  	_ =	shalt  }
0x59: {  	_ =	shalt  }
0x5a: {  	_ =	shalt  }
0x5b: {  	_ =	shalt  }
0x5c: {  	_ =	shalt  }
0x5d: {  	_ =	shalt  }
0x5e: {  	_ =	shalt  }
0x5f: {  	_ =	shalt  }
0x60: {  	_ =	shalt  }
0x61: {  	_ =	shalt  }
0x62: {  	_ =	shalt  }
0x63: {  	_ =	shalt  }
0x64: {  	_ =	shalt  }
0x65: {  	_ =	shalt  }
0x66: {  	_ =	shalt  }
0x67: {  	_ =	shalt  }
0x68: {  	_ =	shalt  }
0x69: {  	_ =	shalt  }
0x6a: {  	_ =	shalt  }
0x6b: {  	_ =	shalt  }
0x6c: {  	_ =	shalt  }
0x6d: {  	_ =	shalt  }
0x6e: {  	_ =	shalt  }
0x6f: {  	_ =	shalt  }
0x70: {  	_ =	shalt  }
0x71: {  	_ =	shalt  }
0x72: {  	_ =	shalt  }
0x73: {  	_ =	shalt  }
0x74: {  	_ =	shalt  }
0x75: {  	_ =	shalt  }
0x76: {  	_ =	shalt  }
0x77: {  	_ =	shalt  }
0x78: {  	_ =	shalt  }
0x79: {  	_ =	shalt  }
0x7a: {  	_ =	shalt  }
0x7b: {  	_ =	shalt  }
0x7c: {  	_ =	shalt  }
0x7d: {  	_ =	shalt  }
0x7e: {  	_ =	shalt  }
0x7f: {  	_ =	shalt  }
0x80: {  	_ =	shalt  }
0x81: {  	_ =	shalt  }
0x82: {  	_ =	shalt  }
0x83: {  	_ =	shalt  }
0x84: {  	_ =	shalt  }
0x85: {  	_ =	shalt  }
0x86: {  	_ =	shalt  }
0x87: {  	_ =	shalt  }
.Lfunc_end0:
.L_simem_size_0:
called_computation.1_lowered:
.L_overlay_start_0:
0x88: {  	s2 =	sld [smem:$0x3FD9]  }
0x89: {  	s3 =	sld [smem:$0x3FFE];
	_ =	sdelay $0x1  }
0x8a: {  	s1 =	srdreg.scid  }
0x8b: {  	s0 =	sand.u32 $0x1, s1  }
0x8c: {  	s17 =	sshll.u32 s0, $0xA;
	s2 =	sadd.s32 s3, s2  }
0x8d: {  	s2 =	sadd.s32 s2, s17  }
0x8e: {  	[smem:$0x3FC5] =	sst s2  }
0x8f: {  	_ = 	snop  }
0x90: {  	s2 =	sld [smem:$0x3FC9]  }
0x91: {  	s18 =	sld [smem:$0x3FD0];
	(tm) =	ssettm $0x1  }
0x92: {  	s4 =	sld [smem:$0x3FFB];
	_ =	sdelay $0x3  }
0x93: {  	_ =	strace s4  }
0x94: {  	s4 =	sld [smem:$0x3FFC];
	_ =	sdelay $0x3  }
0x95: {  	_ =	strace s4  }
0x96: {  	s4 =	sld [smem:$0x3FFD];
	_ =	sdelay $0x3  }
0x97: {  	_ =	strace s4  }
0x98: {  	_ =	strace $0x8FFFFFFF  }
0x99: {  	s19 =	sld [smem:$0x3FDB];
	_ =	sdelay $0x1  }
0x9a: {  	s5 =	simm.s32 $_scs_section_size  }
0x9b: {  	s6 =	simm.s32 $_size__tile_overlayer_lowered;
	s7 =	simm.s32 $_tile_overlayer_lowered  }
0x9c: {  	s22 =	simm.s32 $0x1BFF;
	s21 =	sshll.u32 s7, $0x1;
	s4 =	sadd.s32 s5, s19  }
0x9d: {  	s8 =	simm.s32 $0x0;
	s20 =	sshll.u32 s6, $0x1;
	s6 =	sadd.s32 s21, s4  }
0x9e: {  	[timem:s8], [sflag:s22] =	dma.local [hbm:s6], s20  }
0x9f: {  	_ =	swait.ge [sflag:s22], s20  }
0xa0: {  	s5 =	ssub.s32 $0x0, s20;
	[sflag:s22] =	ssyncset.done $0x0  }
0xa1: {  	[sflag:s22] =	ssyncadd.s32 s5;
	_ =	sdelay $0x1  }
0xa2: {  	s23 =	simm.s32 $0x1B8B  }
0xa3: {  	_ =	swait.ge [sflag:s23], $0x1  }
0xa4: {  	[sflag:s23] =	ssyncset.done $0x0  }
0xa5: {  	s25 =	simm.s32 $0x1B8E;
	s24 =	sld [smem:$0x3FFE];
	[sflag:s23] =	ssyncadd.s32 $0xFFFFFFFF  }
0xa6: {  	s26 =	simm.s32 $execute0_lowered;
	[smem:$0x3FD2] =	sst s25  }
0xa7: {  	s6 =	sshll.u32 s26, $0x1;
	_ =	strace $0x80000046;
	[dreg:$0x1] =	wrdreg $0xFFFFFFFF  }
0xa8: {  	s28 =	simm.s32 $_size_execute0_lowered;
	s4 =	sadd.s32 s4, s6;
	[dreg:$0x0] =	wrdreg $0x0  }
0xa9: {  	s6 =	sshll.u32 s28, $0x1;
	[dreg:$0x2] =	wrdreg s4  }
0xaa: {  	[dreg:$0x3] =	wrdreg s6  }
0xab: {  	[dreg:$0x4] =	wrdreg $0xC0  }
0xac: {  	_ =	task [dreg:s8], $0x5FFFF  }
0xad: {  	[dreg:$0x1] =	wrdreg $0xFFFFFFFF  }
0xae: {  	[dreg:$0x0] =	wrdreg $0x60  }
0xaf: {  	[dreg:$0x2] =	wrdreg s2  }
0xb0: {  	[dreg:$0x3] =	wrdreg s24  }
0xb1: {  	[dreg:$0x4] =	wrdreg s18  }
0xb2: {  	[dreg:$0x5] =	wrdreg $0x9  }
0xb3: {  	_ =	task.clear_ibuf [dreg:s8], $0x6FFFF;
	_ =	strace $0x90000046  }
0xb4: {  	s29 =	simm.s32 $0x9;
	_ =	strace $0x80000048  }
0xb5: {  	_ =	swait.ge [sflag:s29], $0x1  }
0xb6: {  	[sflag:s29] =	ssyncadd.s32 $0xFFFFFFFF  }
0xb7: {  	_ =	strace $0x90000048  }
0xb8: {  	_ =	sfence  }
0xb9: {  	s30 =	sld [smem:$0x0];
	_ =	sdelay $0x2  }
0xba: {  	s31 =	sshll.u32 s1, $0xD;
	s1 =	sshrl.u32 s1, $0x2  }
0xbb: {  	s3 =	sand.u32 $0x4000, s31;
	s1 =	sadd.s32 s1, s30  }
0xbc: {  	s0 =	sor.u32 s3, s0;
	s1 =	sshll.u32 s1, $0x11  }
0xbd: {  	s0 =	sor.u32 s1, s0  }
0xbe: {  	s0 =	sadd.s32 $0x8F2B, s0  }
0xbf: {  	[sflag:s0] =	ssyncadd.remote.s32 $0x1  }
0xc0: {  	_ =	sfence.sel $0xFFFF  }
0xc1: {  	[dreg:$0x0] =	wrdreg $0xFFFFFFFF;
	(pc) =	sbr.abs _section_cstart, $3  }
0xc2: {  	[dreg:$0x1] =	wrdreg $0xFFFFFFFF  }
0xc3: {  	_ =	task.clear_ibuf [dreg:s8], $0x2FFFF;
	_ =	strace $0x9FFFFFFF  }
0xc4: {  	(tm) =	ssettm $0x7FFFFFFF  }
0xc5: {  	_ =	shalt  }
tec
execute0_lowered:
.L_overlay_start_1:
0x0: {  	(tag) =	ssettag $0x1  }
0x1: {  	s1 =	rddreg [dreg:$0x0]  }
0x2: {  	s0 =	rddreg [dreg:$0x1]  }
0x3: {  	s3 =	rddreg [dreg:$0x2]  }
0x4: {  	s2 =	srdreg.scid;
	s5 =	stileid.u32;
	s4 =	simm.s32 $0x0  }
0x5: {  	s16 =	simm.s32 $0x7;
	s17 =	simm.s32 $0x1;
	s18 =	simm.s32 $0x320  }
0x6: {  	s19 =	simm.s32 $0x640;
	s20 =	simm.s32 $0x3;
	s21 =	simm.s32 $0x2  }
0x7: {  	s22 =	simm.s32 $0xCE40;
	s23 =	simm.s32 $0x4;
	s24 =	simm.s32 $0x5  }
0x8: {  	s25 =	simm.s32 $0x6;
	s2 =	sand.u32 $0x1, s2;
	s5 =	sshll.u32 s5, $0x1  }
0x9: {  	s26 =	simm.s32 $0x0;
	[smem:$0x7FF] =	sst s4;
	s8 =	sor.u32 s2, s5  }
0xa: {  	s6 =	sadd.s32 $0x800, s0;
	s2 =	ssub.s32 $0x2, s2;
	s12 =	smul.u32 $0x6400, s8  }
0xb: {  	_ =	strace $0x80000047;
	s30 =	sshrl.u32 s2, $0x1;
	s10 =	smul.u32 $0x32000, s8  }
0xc: {  	s5 =	sadd.s32 $0x1800, s0;
	s0 =	ssub.s32 s2, s30;
	s9 =	sshrl.u32 s12, $0x3  }
0xd: {  	s7 =	sor.u32 $0x320, s12;
	s10 =	sadd.s32 s3, s10;
	s11 =	sadd.s32 $0x640, s12  }
0xe: {  	s12 =	sadd.s32 $0x960, s12;
	s14 =	smax.u32 s0, $0x1;
	s31 =	sshrl.u32 s7, $0x3  }
0xf: {  	s8 =	sadd.s32 s1, s9;
	s13 =	sadd.s32 $0x30700, s10;
	s9 =	sadd.s32 s1, s31  }
.LBB2_1:
0x10: {  	s0 =	simm.s32 $0x19640  }
0x11: {  	[tilespmem:s0], [sflag:$0x7] =	stream.linear.gather [hbm4b:s6+s4], $0x3200, $0x38;
	[tilespmem:$0x1C840] =	vst v63  }
0x12: {  	_ =	swait.ge [sflag:s16], $0x3200  }
0x13: {  	[sflag:s16] =	ssyncset.done $0x0  }
0x14: {  	[sflag:s16] =	ssyncadd.s32 $0xFFFFCE00  }
0x15: {  	[tilespmem:s4], [sflag:$0x1] =	stream.linear.gather [hbm4b:s8+s4], $0x320, $0x38;
	[tilespmem:$0x1C840] =	vst v63  }
0x16: {  	_ =	swait.ge [sflag:s17], $0x320  }
0x17: {  	[sflag:s17] =	ssyncset.done $0x0  }
0x18: {  	[sflag:s17] =	ssyncadd.s32 $0xFFFFFCE0  }
0x19: {  	[tilespmem:s19], [sflag:$0x3] =	stream.indirect.gather [hbm4b:s5+s18], $0x40, s4, s18, $0xb8;
	[tilespmem:$0x1C840] =	vst v63  }
0x1a: {  	_ =	swait.ge [sflag:s20], $0xC800  }
0x1b: {  	[sflag:s20] =	ssyncset.done $0x0  }
0x1c: {  	[sflag:s20] =	ssyncadd.s32 $0xFFFF3800  }
0x1d: {  	[tilespmem:s18], [sflag:$0x2] =	stream.linear.gather [hbm4b:s9+s4], $0x320, $0x38;
	[tilespmem:$0x1C840] =	vst v63  }
0x1e: {  	_ =	swait.ge [sflag:s21], $0x320  }
0x1f: {  	[sflag:s21] =	ssyncset.done $0x0  }
0x20: {  	s28 =	simm.s32 $0x0;
	[sflag:s21] =	ssyncadd.s32 $0xFFFFFCE0  }
0x21: {  	[tilespmem:s22], [sflag:$0x4] =	stream.indirect.gather [hbm4b:s5+s18], $0x40, s18, s18, $0xb8;
	[tilespmem:$0x1C840] =	vst v63  }
0x22: {  	v0 =	vld [tilespmem:s28+$0x19670]  }
0x23: {  	v1 =	vld [tilespmem:s28+$0x19640];
	_ =	sdelay $0x1  }
0x24: {  	v2 =	vld [tilespmem:s28+$0x19650]  }
0x25: {  	v3 =	vld [tilespmem:s28+$0x19660]  }
0x26: {  	[tilespmem:s28+$0x9C70] =	vst.add.f32.msk $0xffff, v0  }
0x27: {  	[tilespmem:s28+$0x640] =	vst.add.f32.msk $0xffff, v1  }
0x28: {  	[tilespmem:s28+$0x3840] =	vst.add.f32.msk $0xffff, v1  }
0x29: {  	[tilespmem:s28+$0x6A40] =	vst.add.f32.msk $0xffff, v1  }
0x2a: {  	[tilespmem:s28+$0x9C40] =	vst.add.f32.msk $0xffff, v1  }
0x2b: {  	[tilespmem:s28+$0x650] =	vst.add.f32.msk $0xffff, v2  }
0x2c: {  	[tilespmem:s28+$0x3850] =	vst.add.f32.msk $0xffff, v2  }
0x2d: {  	[tilespmem:s28+$0x6A50] =	vst.add.f32.msk $0xffff, v2  }
0x2e: {  	[tilespmem:s28+$0x9C50] =	vst.add.f32.msk $0xffff, v2  }
0x2f: {  	[tilespmem:s28+$0x660] =	vst.add.f32.msk $0xffff, v3  }
0x30: {  	[tilespmem:s28+$0x3860] =	vst.add.f32.msk $0xffff, v3  }
0x31: {  	[tilespmem:s28+$0x6A60] =	vst.add.f32.msk $0xffff, v3  }
0x32: {  	[tilespmem:s28+$0x9C60] =	vst.add.f32.msk $0xffff, v3  }
0x33: {  	[tilespmem:s28+$0x670] =	vst.add.f32.msk $0xffff, v0  }
0x34: {  	s2 =	simm.s32 $0x40;
	s0 =	simm.s32 $0x200;
	[tilespmem:s28+$0x3870] =	vst.add.f32.msk $0xffff, v0  }
.LBB2_2:
0x35: {  	p0 =	sne.s32 s0, $0xC700;
	v1 =	vld [tilespmem:s2+$0x19670]  }
0x36: {  	v2 =	vld [tilespmem:s2+$0x19640]  }
0x37: {  	v3 =	vld [tilespmem:s2+$0x19650]  }
0x38: {  	v4 =	vld [tilespmem:s2+$0x19660]  }
0x39: {  	[tilespmem:s28+$0x6A70] =	vst.add.f32.msk $0xffff, v0;
	s28 =	smov.u32 s2  }
0x3a: {  	[tilespmem:s28+$0x9C70] =	vst.add.f32.msk $0xffff, v1;
	v0 =	vmov v1  }
0x3b: {  	[tilespmem:s28+$0x640] =	vst.add.f32.msk $0xffff, v2  }
0x3c: {  	[tilespmem:s28+$0x3840] =	vst.add.f32.msk $0xffff, v2  }
0x3d: {  	[tilespmem:s28+$0x6A40] =	vst.add.f32.msk $0xffff, v2  }
0x3e: {  	[tilespmem:s28+$0x9C40] =	vst.add.f32.msk $0xffff, v2  }
0x3f: {  	[tilespmem:s28+$0x650] =	vst.add.f32.msk $0xffff, v3  }
0x40: {  	[tilespmem:s28+$0x3850] =	vst.add.f32.msk $0xffff, v3  }
0x41: {  	[tilespmem:s28+$0x6A50] =	vst.add.f32.msk $0xffff, v3  }
0x42: {  	[tilespmem:s28+$0x9C50] =	vst.add.f32.msk $0xffff, v3  }
0x43: {  	[tilespmem:s28+$0x660] =	vst.add.f32.msk $0xffff, v4  }
.Ltmp0:
0x44: {  	[tilespmem:s28+$0x3860] =	vst.add.f32.msk $0xffff, v4;
	(pc) =	sbr.rel @p0 .LBB2_2-.Ltmp0, $4  }
0x45: {  	[tilespmem:s28+$0x6A60] =	vst.add.f32.msk $0xffff, v4  }
0x46: {  	[tilespmem:s28+$0x9C60] =	vst.add.f32.msk $0xffff, v4  }
0x47: {  	[tilespmem:s28+$0x670] =	vst.add.f32.msk $0xffff, v0  }
0x48: {  	s2 =	sshra.s32 s0, $0x2;
	s0 =	sadd.s32 $0x100, s0;
	[tilespmem:s28+$0x3870] =	vst.add.f32.msk $0xffff, v0  }
0x49: {  	v1 =	vld [tilespmem:s2+$0x19670]  }
0x4a: {  	v2 =	vld [tilespmem:s2+$0x19640]  }
0x4b: {  	v3 =	vld [tilespmem:s2+$0x19650]  }
0x4c: {  	v4 =	vld [tilespmem:s2+$0x19660]  }
0x4d: {  	[tilespmem:s28+$0x6A70] =	vst.add.f32.msk $0xffff, v0  }
0x4e: {  	[tilespmem:s2+$0x9C70] =	vst.add.f32.msk $0xffff, v1  }
0x4f: {  	[tilespmem:s2+$0x640] =	vst.add.f32.msk $0xffff, v2  }
0x50: {  	[tilespmem:s2+$0x3840] =	vst.add.f32.msk $0xffff, v2  }
0x51: {  	[tilespmem:s2+$0x6A40] =	vst.add.f32.msk $0xffff, v2  }
0x52: {  	[tilespmem:s2+$0x9C40] =	vst.add.f32.msk $0xffff, v2  }
0x53: {  	[tilespmem:s2+$0x650] =	vst.add.f32.msk $0xffff, v3  }
0x54: {  	[tilespmem:s2+$0x3850] =	vst.add.f32.msk $0xffff, v3  }
0x55: {  	[tilespmem:s2+$0x6A50] =	vst.add.f32.msk $0xffff, v3  }
0x56: {  	[tilespmem:s2+$0x9C50] =	vst.add.f32.msk $0xffff, v3  }
0x57: {  	[tilespmem:s2+$0x660] =	vst.add.f32.msk $0xffff, v4  }
0x58: {  	[tilespmem:s2+$0x3860] =	vst.add.f32.msk $0xffff, v4  }
0x59: {  	[tilespmem:s2+$0x6A60] =	vst.add.f32.msk $0xffff, v4  }
0x5a: {  	[tilespmem:s2+$0x9C60] =	vst.add.f32.msk $0xffff, v4  }
0x5b: {  	[tilespmem:s2+$0x670] =	vst.add.f32.msk $0xffff, v1  }
0x5c: {  	[tilespmem:s2+$0x3870] =	vst.add.f32.msk $0xffff, v1  }
0x5d: {  	s28 =	simm.s32 $0x0;
	s29 =	simm.s32 $0x0;
	[tilespmem:s2+$0x6A70] =	vst.add.f32.msk $0xffff, v1  }
0x5e: {  	[hbm4b:s10+s28] =	stream.linear.scatter [tilespmem:s19], [sflag:$0x5], $0xC800, $0x38;
	[tilespmem:$0x1C840] =	vst v63  }
.LBB2_4:
0x5f: {  	_ =	swait.ge [sflag:s23], $0xC800  }
0x60: {  	s31 =	smul.u32 $0x640, s29;
	[sflag:s23] =	ssyncset.done $0x0  }
0x61: {  	[sflag:s23] =	ssyncadd.s32 $0xFFFF3800  }
0x62: {  	s30 =	sadd.s32 s31, s11;
	_ =	swait.ge [sflag:s24], $0xC800  }
0x63: {  	s0 =	sshrl.u32 s30, $0x3;
	[sflag:s24] =	ssyncset.done $0x0  }
0x64: {  	s0 =	sadd.s32 s1, s0;
	[sflag:s24] =	ssyncadd.s32 $0xFFFF3800  }
0x65: {  	[tilespmem:s28], [sflag:$0x1] =	stream.linear.gather [hbm4b:s0+s28], $0x320, $0x38;
	[tilespmem:$0x1C840] =	vst v63  }
0x66: {  	_ =	swait.ge [sflag:s17], $0x320  }
0x67: {  	[sflag:s17] =	ssyncset.done $0x0  }
0x68: {  	s0 =	simm.s32 $0x0;
	[sflag:s17] =	ssyncadd.s32 $0xFFFFFCE0  }
0x69: {  	[tilespmem:s19], [sflag:$0x3] =	stream.indirect.gather [hbm4b:s5+s18], $0x40, s28, s18, $0xb8;
	[tilespmem:$0x1C840] =	vst v63  }
0x6a: {  	v0 =	vld [tilespmem:s0+$0x19670]  }
0x6b: {  	v1 =	vld [tilespmem:s0+$0x19640];
	_ =	sdelay $0x1  }
0x6c: {  	v2 =	vld [tilespmem:s0+$0x19650]  }
0x6d: {  	v3 =	vld [tilespmem:s0+$0x19660]  }
0x6e: {  	[tilespmem:s0+$0x16470] =	vst.add.f32.msk $0xffff, v0  }
0x6f: {  	[tilespmem:s0+$0xCE40] =	vst.add.f32.msk $0xffff, v1  }
0x70: {  	[tilespmem:s0+$0x10040] =	vst.add.f32.msk $0xffff, v1  }
0x71: {  	[tilespmem:s0+$0x13240] =	vst.add.f32.msk $0xffff, v1  }
0x72: {  	[tilespmem:s0+$0x16440] =	vst.add.f32.msk $0xffff, v1  }
0x73: {  	[tilespmem:s0+$0xCE50] =	vst.add.f32.msk $0xffff, v2  }
0x74: {  	[tilespmem:s0+$0x10050] =	vst.add.f32.msk $0xffff, v2  }
0x75: {  	[tilespmem:s0+$0x13250] =	vst.add.f32.msk $0xffff, v2  }
0x76: {  	[tilespmem:s0+$0x16450] =	vst.add.f32.msk $0xffff, v2  }
0x77: {  	[tilespmem:s0+$0xCE60] =	vst.add.f32.msk $0xffff, v3  }
0x78: {  	[tilespmem:s0+$0x10060] =	vst.add.f32.msk $0xffff, v3  }
0x79: {  	[tilespmem:s0+$0x13260] =	vst.add.f32.msk $0xffff, v3  }
0x7a: {  	[tilespmem:s0+$0x16460] =	vst.add.f32.msk $0xffff, v3  }
0x7b: {  	[tilespmem:s0+$0xCE70] =	vst.add.f32.msk $0xffff, v0  }
0x7c: {  	s15 =	simm.s32 $0x40;
	s2 =	simm.s32 $0x200;
	[tilespmem:s0+$0x10070] =	vst.add.f32.msk $0xffff, v0  }
.LBB2_5:
0x7d: {  	p0 =	sne.s32 s2, $0xC700;
	v1 =	vld [tilespmem:s15+$0x19670]  }
0x7e: {  	v2 =	vld [tilespmem:s15+$0x19640]  }
0x7f: {  	v3 =	vld [tilespmem:s15+$0x19650]  }
0x80: {  	v4 =	vld [tilespmem:s15+$0x19660]  }
0x81: {  	[tilespmem:s0+$0x13270] =	vst.add.f32.msk $0xffff, v0;
	s0 =	smov.u32 s15  }
0x82: {  	[tilespmem:s0+$0x16470] =	vst.add.f32.msk $0xffff, v1;
	v0 =	vmov v1  }
0x83: {  	[tilespmem:s0+$0xCE40] =	vst.add.f32.msk $0xffff, v2  }
0x84: {  	[tilespmem:s0+$0x10040] =	vst.add.f32.msk $0xffff, v2  }
0x85: {  	[tilespmem:s0+$0x13240] =	vst.add.f32.msk $0xffff, v2  }
0x86: {  	[tilespmem:s0+$0x16440] =	vst.add.f32.msk $0xffff, v2  }
0x87: {  	[tilespmem:s0+$0xCE50] =	vst.add.f32.msk $0xffff, v3  }
0x88: {  	[tilespmem:s0+$0x10050] =	vst.add.f32.msk $0xffff, v3  }
0x89: {  	[tilespmem:s0+$0x13250] =	vst.add.f32.msk $0xffff, v3  }
0x8a: {  	[tilespmem:s0+$0x16450] =	vst.add.f32.msk $0xffff, v3  }
0x8b: {  	[tilespmem:s0+$0xCE60] =	vst.add.f32.msk $0xffff, v4  }
.Ltmp1:
0x8c: {  	[tilespmem:s0+$0x10060] =	vst.add.f32.msk $0xffff, v4;
	(pc) =	sbr.rel @p0 .LBB2_5-.Ltmp1, $4  }
0x8d: {  	[tilespmem:s0+$0x13260] =	vst.add.f32.msk $0xffff, v4  }
0x8e: {  	[tilespmem:s0+$0x16460] =	vst.add.f32.msk $0xffff, v4  }
0x8f: {  	[tilespmem:s0+$0xCE70] =	vst.add.f32.msk $0xffff, v0  }
0x90: {  	s15 =	sshra.s32 s2, $0x2;
	s2 =	sadd.s32 $0x100, s2;
	[tilespmem:s0+$0x10070] =	vst.add.f32.msk $0xffff, v0  }
0x91: {  	v1 =	vld [tilespmem:s15+$0x19670]  }
0x92: {  	v2 =	vld [tilespmem:s15+$0x19640]  }
0x93: {  	v3 =	vld [tilespmem:s15+$0x19650]  }
0x94: {  	v4 =	vld [tilespmem:s15+$0x19660]  }
0x95: {  	[tilespmem:s0+$0x13270] =	vst.add.f32.msk $0xffff, v0  }
0x96: {  	[tilespmem:s15+$0x16470] =	vst.add.f32.msk $0xffff, v1  }
0x97: {  	[tilespmem:s15+$0xCE40] =	vst.add.f32.msk $0xffff, v2  }
0x98: {  	[tilespmem:s15+$0x10040] =	vst.add.f32.msk $0xffff, v2  }
0x99: {  	[tilespmem:s15+$0x13240] =	vst.add.f32.msk $0xffff, v2  }
0x9a: {  	[tilespmem:s15+$0x16440] =	vst.add.f32.msk $0xffff, v2  }
0x9b: {  	[tilespmem:s15+$0xCE50] =	vst.add.f32.msk $0xffff, v3  }
0x9c: {  	[tilespmem:s15+$0x10050] =	vst.add.f32.msk $0xffff, v3  }
0x9d: {  	[tilespmem:s15+$0x13250] =	vst.add.f32.msk $0xffff, v3  }
0x9e: {  	[tilespmem:s15+$0x16450] =	vst.add.f32.msk $0xffff, v3  }
0x9f: {  	[tilespmem:s15+$0xCE60] =	vst.add.f32.msk $0xffff, v4  }
0xa0: {  	[tilespmem:s15+$0x10060] =	vst.add.f32.msk $0xffff, v4  }
0xa1: {  	[tilespmem:s15+$0x13260] =	vst.add.f32.msk $0xffff, v4  }
0xa2: {  	s2 =	sadd.s32 s31, s7;
	[tilespmem:s15+$0x16460] =	vst.add.f32.msk $0xffff, v4  }
0xa3: {  	s0 =	sshll.u32 s2, $0x3;
	[tilespmem:s15+$0xCE70] =	vst.add.f32.msk $0xffff, v1  }
0xa4: {  	s0 =	sand.u32 $0x1FFFFF00, s0;
	[tilespmem:s15+$0x10070] =	vst.add.f32.msk $0xffff, v1  }
0xa5: {  	s2 =	simm.s32 $0x0;
	s0 =	sadd.s32 s3, s0;
	[tilespmem:s15+$0x13270] =	vst.add.f32.msk $0xffff, v1  }
0xa6: {  	[hbm4b:s0+s2] =	stream.linear.scatter [tilespmem:s22], [sflag:$0x6], $0xC800, $0x38;
	[tilespmem:$0x1C840] =	vst v63  }
0xa7: {  	_ =	swait.ge [sflag:s20], $0xC800  }
0xa8: {  	[sflag:s20] =	ssyncset.done $0x0  }
0xa9: {  	[sflag:s20] =	ssyncadd.s32 $0xFFFF3800  }
0xaa: {  	s31 =	sadd.s32 s31, s12;
	_ =	swait.ge [sflag:s25], $0xC800  }
0xab: {  	s0 =	sshrl.u32 s31, $0x3;
	[sflag:s25] =	ssyncset.done $0x0  }
0xac: {  	s0 =	sadd.s32 s1, s0;
	[sflag:s25] =	ssyncadd.s32 $0xFFFF3800  }
0xad: {  	[tilespmem:s18], [sflag:$0x2] =	stream.linear.gather [hbm4b:s0+s2], $0x320, $0x38;
	[tilespmem:$0x1C840] =	vst v63  }
0xae: {  	_ =	swait.ge [sflag:s21], $0x320  }
0xaf: {  	[sflag:s21] =	ssyncset.done $0x0  }
0xb0: {  	s0 =	simm.s32 $0x0;
	[sflag:s21] =	ssyncadd.s32 $0xFFFFFCE0  }
0xb1: {  	[tilespmem:s22], [sflag:$0x4] =	stream.indirect.gather [hbm4b:s5+s18], $0x40, s18, s18, $0xb8;
	[tilespmem:$0x1C840] =	vst v63  }
0xb2: {  	v0 =	vld [tilespmem:s0+$0x19670]  }
0xb3: {  	v1 =	vld [tilespmem:s0+$0x19640];
	_ =	sdelay $0x1  }
0xb4: {  	v2 =	vld [tilespmem:s0+$0x19650]  }
0xb5: {  	v3 =	vld [tilespmem:s0+$0x19660]  }
0xb6: {  	[tilespmem:s0+$0x9C70] =	vst.add.f32.msk $0xffff, v0  }
0xb7: {  	[tilespmem:s0+$0x640] =	vst.add.f32.msk $0xffff, v1  }
0xb8: {  	[tilespmem:s0+$0x3840] =	vst.add.f32.msk $0xffff, v1  }
0xb9: {  	[tilespmem:s0+$0x6A40] =	vst.add.f32.msk $0xffff, v1  }
0xba: {  	[tilespmem:s0+$0x9C40] =	vst.add.f32.msk $0xffff, v1  }
0xbb: {  	[tilespmem:s0+$0x650] =	vst.add.f32.msk $0xffff, v2  }
0xbc: {  	[tilespmem:s0+$0x3850] =	vst.add.f32.msk $0xffff, v2  }
0xbd: {  	[tilespmem:s0+$0x6A50] =	vst.add.f32.msk $0xffff, v2  }
0xbe: {  	[tilespmem:s0+$0x9C50] =	vst.add.f32.msk $0xffff, v2  }
0xbf: {  	[tilespmem:s0+$0x660] =	vst.add.f32.msk $0xffff, v3  }
0xc0: {  	[tilespmem:s0+$0x3860] =	vst.add.f32.msk $0xffff, v3  }
0xc1: {  	[tilespmem:s0+$0x6A60] =	vst.add.f32.msk $0xffff, v3  }
0xc2: {  	[tilespmem:s0+$0x9C60] =	vst.add.f32.msk $0xffff, v3  }
0xc3: {  	[tilespmem:s0+$0x670] =	vst.add.f32.msk $0xffff, v0  }
0xc4: {  	s15 =	simm.s32 $0x40;
	s2 =	simm.s32 $0x200;
	[tilespmem:s0+$0x3870] =	vst.add.f32.msk $0xffff, v0  }
.LBB2_7:
0xc5: {  	p0 =	sne.s32 s2, $0xC700;
	v1 =	vld [tilespmem:s15+$0x19670]  }
0xc6: {  	v2 =	vld [tilespmem:s15+$0x19640]  }
0xc7: {  	v3 =	vld [tilespmem:s15+$0x19650]  }
0xc8: {  	v4 =	vld [tilespmem:s15+$0x19660]  }
0xc9: {  	[tilespmem:s0+$0x6A70] =	vst.add.f32.msk $0xffff, v0;
	s0 =	smov.u32 s15  }
0xca: {  	[tilespmem:s0+$0x9C70] =	vst.add.f32.msk $0xffff, v1;
	v0 =	vmov v1  }
0xcb: {  	[tilespmem:s0+$0x640] =	vst.add.f32.msk $0xffff, v2  }
0xcc: {  	[tilespmem:s0+$0x3840] =	vst.add.f32.msk $0xffff, v2  }
0xcd: {  	[tilespmem:s0+$0x6A40] =	vst.add.f32.msk $0xffff, v2  }
0xce: {  	[tilespmem:s0+$0x9C40] =	vst.add.f32.msk $0xffff, v2  }
0xcf: {  	[tilespmem:s0+$0x650] =	vst.add.f32.msk $0xffff, v3  }
0xd0: {  	[tilespmem:s0+$0x3850] =	vst.add.f32.msk $0xffff, v3  }
0xd1: {  	[tilespmem:s0+$0x6A50] =	vst.add.f32.msk $0xffff, v3  }
0xd2: {  	[tilespmem:s0+$0x9C50] =	vst.add.f32.msk $0xffff, v3  }
0xd3: {  	[tilespmem:s0+$0x660] =	vst.add.f32.msk $0xffff, v4  }
.Ltmp2:
0xd4: {  	[tilespmem:s0+$0x3860] =	vst.add.f32.msk $0xffff, v4;
	(pc) =	sbr.rel @p0 .LBB2_7-.Ltmp2, $4  }
0xd5: {  	[tilespmem:s0+$0x6A60] =	vst.add.f32.msk $0xffff, v4  }
0xd6: {  	[tilespmem:s0+$0x9C60] =	vst.add.f32.msk $0xffff, v4  }
0xd7: {  	[tilespmem:s0+$0x670] =	vst.add.f32.msk $0xffff, v0  }
0xd8: {  	s15 =	sshra.s32 s2, $0x2;
	s2 =	sadd.s32 $0x100, s2;
	[tilespmem:s0+$0x3870] =	vst.add.f32.msk $0xffff, v0  }
0xd9: {  	v1 =	vld [tilespmem:s15+$0x19670]  }
0xda: {  	v2 =	vld [tilespmem:s15+$0x19640]  }
0xdb: {  	v3 =	vld [tilespmem:s15+$0x19650]  }
0xdc: {  	v4 =	vld [tilespmem:s15+$0x19660]  }
0xdd: {  	[tilespmem:s0+$0x6A70] =	vst.add.f32.msk $0xffff, v0  }
0xde: {  	[tilespmem:s15+$0x9C70] =	vst.add.f32.msk $0xffff, v1  }
0xdf: {  	[tilespmem:s15+$0x640] =	vst.add.f32.msk $0xffff, v2  }
0xe0: {  	[tilespmem:s15+$0x3840] =	vst.add.f32.msk $0xffff, v2  }
0xe1: {  	[tilespmem:s15+$0x6A40] =	vst.add.f32.msk $0xffff, v2  }
0xe2: {  	[tilespmem:s15+$0x9C40] =	vst.add.f32.msk $0xffff, v2  }
0xe3: {  	[tilespmem:s15+$0x650] =	vst.add.f32.msk $0xffff, v3  }
0xe4: {  	[tilespmem:s15+$0x3850] =	vst.add.f32.msk $0xffff, v3  }
0xe5: {  	[tilespmem:s15+$0x6A50] =	vst.add.f32.msk $0xffff, v3  }
0xe6: {  	[tilespmem:s15+$0x9C50] =	vst.add.f32.msk $0xffff, v3  }
0xe7: {  	[tilespmem:s15+$0x660] =	vst.add.f32.msk $0xffff, v4  }
0xe8: {  	s29 =	sadd.s32 $0x1, s29;
	[tilespmem:s15+$0x3860] =	vst.add.f32.msk $0xffff, v4  }
0xe9: {  	p0 =	sne.s32 s29, $0xF;
	[tilespmem:s15+$0x6A60] =	vst.add.f32.msk $0xffff, v4  }
.Ltmp3:
0xea: {  	[tilespmem:s15+$0x9C60] =	vst.add.f32.msk $0xffff, v4;
	(pc) =	sbr.rel @p0 .LBB2_4-.Ltmp3, $4  }
0xeb: {  	s31 =	sshll.u32 s30, $0x3;
	[tilespmem:s15+$0x670] =	vst.add.f32.msk $0xffff, v1  }
0xec: {  	s0 =	sand.u32 $0x1FFFFE00, s31;
	[tilespmem:s15+$0x3870] =	vst.add.f32.msk $0xffff, v1  }
0xed: {  	s0 =	sadd.s32 s3, s0;
	[tilespmem:s15+$0x6A70] =	vst.add.f32.msk $0xffff, v1  }
0xee: {  	[hbm4b:s0+s4] =	stream.linear.scatter [tilespmem:s19], [sflag:$0x5], $0xC800, $0x38;
	[tilespmem:$0x1C840] =	vst v63  }
0xef: {  	_ =	swait.ge [sflag:s23], $0xC800  }
0xf0: {  	[sflag:s23] =	ssyncset.done $0x0  }
0xf1: {  	s0 =	simm.s32 $0x0;
	[sflag:s23] =	ssyncadd.s32 $0xFFFF3800  }
0xf2: {  	v0 =	vld [tilespmem:s0+$0x19670]  }
0xf3: {  	v1 =	vld [tilespmem:s0+$0x19640];
	_ =	sdelay $0x1  }
0xf4: {  	v2 =	vld [tilespmem:s0+$0x19650]  }
0xf5: {  	v3 =	vld [tilespmem:s0+$0x19660]  }
0xf6: {  	[tilespmem:s0+$0x16470] =	vst.add.f32.msk $0xffff, v0  }
0xf7: {  	[tilespmem:s0+$0xCE40] =	vst.add.f32.msk $0xffff, v1  }
0xf8: {  	[tilespmem:s0+$0x10040] =	vst.add.f32.msk $0xffff, v1  }
0xf9: {  	[tilespmem:s0+$0x13240] =	vst.add.f32.msk $0xffff, v1  }
0xfa: {  	[tilespmem:s0+$0x16440] =	vst.add.f32.msk $0xffff, v1  }
0xfb: {  	[tilespmem:s0+$0xCE50] =	vst.add.f32.msk $0xffff, v2  }
0xfc: {  	[tilespmem:s0+$0x10050] =	vst.add.f32.msk $0xffff, v2  }
0xfd: {  	[tilespmem:s0+$0x13250] =	vst.add.f32.msk $0xffff, v2  }
0xfe: {  	[tilespmem:s0+$0x16450] =	vst.add.f32.msk $0xffff, v2  }
0xff: {  	[tilespmem:s0+$0xCE60] =	vst.add.f32.msk $0xffff, v3  }
0x100: {  	[tilespmem:s0+$0x10060] =	vst.add.f32.msk $0xffff, v3  }
0x101: {  	[tilespmem:s0+$0x13260] =	vst.add.f32.msk $0xffff, v3  }
0x102: {  	[tilespmem:s0+$0x16460] =	vst.add.f32.msk $0xffff, v3  }
0x103: {  	[tilespmem:s0+$0xCE70] =	vst.add.f32.msk $0xffff, v0  }
0x104: {  	s15 =	simm.s32 $0x40;
	s2 =	simm.s32 $0x200;
	[tilespmem:s0+$0x10070] =	vst.add.f32.msk $0xffff, v0  }
.LBB2_10:
0x105: {  	p0 =	sne.s32 s2, $0xC700;
	v1 =	vld [tilespmem:s15+$0x19670]  }
0x106: {  	v2 =	vld [tilespmem:s15+$0x19640]  }
0x107: {  	v3 =	vld [tilespmem:s15+$0x19650]  }
0x108: {  	v4 =	vld [tilespmem:s15+$0x19660]  }
0x109: {  	[tilespmem:s0+$0x13270] =	vst.add.f32.msk $0xffff, v0;
	s0 =	smov.u32 s15  }
0x10a: {  	[tilespmem:s0+$0x16470] =	vst.add.f32.msk $0xffff, v1;
	v0 =	vmov v1  }
0x10b: {  	[tilespmem:s0+$0xCE40] =	vst.add.f32.msk $0xffff, v2  }
0x10c: {  	[tilespmem:s0+$0x10040] =	vst.add.f32.msk $0xffff, v2  }
0x10d: {  	[tilespmem:s0+$0x13240] =	vst.add.f32.msk $0xffff, v2  }
0x10e: {  	[tilespmem:s0+$0x16440] =	vst.add.f32.msk $0xffff, v2  }
0x10f: {  	[tilespmem:s0+$0xCE50] =	vst.add.f32.msk $0xffff, v3  }
0x110: {  	[tilespmem:s0+$0x10050] =	vst.add.f32.msk $0xffff, v3  }
0x111: {  	[tilespmem:s0+$0x13250] =	vst.add.f32.msk $0xffff, v3  }
0x112: {  	[tilespmem:s0+$0x16450] =	vst.add.f32.msk $0xffff, v3  }
0x113: {  	[tilespmem:s0+$0xCE60] =	vst.add.f32.msk $0xffff, v4  }
.Ltmp4:
0x114: {  	[tilespmem:s0+$0x10060] =	vst.add.f32.msk $0xffff, v4;
	(pc) =	sbr.rel @p0 .LBB2_10-.Ltmp4, $4  }
0x115: {  	[tilespmem:s0+$0x13260] =	vst.add.f32.msk $0xffff, v4  }
0x116: {  	[tilespmem:s0+$0x16460] =	vst.add.f32.msk $0xffff, v4  }
0x117: {  	[tilespmem:s0+$0xCE70] =	vst.add.f32.msk $0xffff, v0  }
0x118: {  	s15 =	sshra.s32 s2, $0x2;
	s2 =	sadd.s32 $0x100, s2;
	[tilespmem:s0+$0x10070] =	vst.add.f32.msk $0xffff, v0  }
0x119: {  	v1 =	vld [tilespmem:s15+$0x19670]  }
0x11a: {  	v2 =	vld [tilespmem:s15+$0x19640]  }
0x11b: {  	v3 =	vld [tilespmem:s15+$0x19650]  }
0x11c: {  	v4 =	vld [tilespmem:s15+$0x19660]  }
0x11d: {  	[tilespmem:s0+$0x13270] =	vst.add.f32.msk $0xffff, v0  }
0x11e: {  	[tilespmem:s15+$0x16470] =	vst.add.f32.msk $0xffff, v1  }
0x11f: {  	[tilespmem:s15+$0xCE40] =	vst.add.f32.msk $0xffff, v2  }
0x120: {  	[tilespmem:s15+$0x10040] =	vst.add.f32.msk $0xffff, v2  }
0x121: {  	[tilespmem:s15+$0x13240] =	vst.add.f32.msk $0xffff, v2  }
0x122: {  	[tilespmem:s15+$0x16440] =	vst.add.f32.msk $0xffff, v2  }
0x123: {  	[tilespmem:s15+$0xCE50] =	vst.add.f32.msk $0xffff, v3  }
0x124: {  	[tilespmem:s15+$0x10050] =	vst.add.f32.msk $0xffff, v3  }
0x125: {  	[tilespmem:s15+$0x13250] =	vst.add.f32.msk $0xffff, v3  }
0x126: {  	[tilespmem:s15+$0x16450] =	vst.add.f32.msk $0xffff, v3  }
0x127: {  	[tilespmem:s15+$0xCE60] =	vst.add.f32.msk $0xffff, v4  }
0x128: {  	[tilespmem:s15+$0x10060] =	vst.add.f32.msk $0xffff, v4  }
0x129: {  	[tilespmem:s15+$0x13260] =	vst.add.f32.msk $0xffff, v4  }
0x12a: {  	[tilespmem:s15+$0x16460] =	vst.add.f32.msk $0xffff, v4  }
0x12b: {  	[tilespmem:s15+$0xCE70] =	vst.add.f32.msk $0xffff, v1  }
0x12c: {  	[tilespmem:s15+$0x10070] =	vst.add.f32.msk $0xffff, v1  }
0x12d: {  	s26 =	sadd.s32 $0x1, s26;
	[tilespmem:s15+$0x13270] =	vst.add.f32.msk $0xffff, v1  }
0x12e: {  	[hbm4b:s13+s4] =	stream.linear.scatter [tilespmem:s22], [sflag:$0x6], $0xC800, $0x38;
	[tilespmem:$0x1C840] =	vst v63  }
0x12f: {  	p0 =	sne.s32 s26, s14;
	_ =	swait.ge [sflag:s24], $0xC800  }
.Ltmp5:
0x130: {  	[sflag:s24] =	ssyncset.done $0x0;
	(pc) =	sbr.rel @p0 .LBB2_1-.Ltmp5, $4  }
0x131: {  	[sflag:s24] =	ssyncadd.s32 $0xFFFF3800  }
0x132: {  	_ =	swait.ge [sflag:s25], $0xC800  }
0x133: {  	[sflag:s25] =	ssyncset.done $0x0  }
0x134: {  	[sflag:s25] =	ssyncadd.s32 $0xFFFF3800  }
0x135: {  	_ =	sfence.sel $0x180000  }
0x136: {  	[bflag:$0x0] =	sbarrier.arrive $0xFFFF  }
0x137: {  	_ =	strace $0x90000047  }
0x138: {  	s0 =	stileid.u32;
	[bflag:$0x2] =	sbarrier.arrive $0xFFFF  }
0x139: {  	p0 =	sne.s32 s0, $0x0;
	s0 =	rddreg [dreg:$0x3]  }
0x13a: {  	s0 =	sadd.s32 @!p0 $0x100000, s0  }
0x13b: {  	[sflag:s0] =	ssyncadd.tile.s32 @!p0 $0x1;
	_ =	shalt  }
.Lfunc_end2:
_tile_overlayer_lowered:
.L_overlay_start_2:
0x13c: {  	(tag) =	ssettag $0x2  }
0x13d: {  	s0 =	rddreg [dreg:$0x0];
	s2 =	stileid.u32  }
0x13e: {  	s1 =	rddreg [dreg:$0x1];
	p0 =	sne.s32 s2, $0x0  }
0x13f: {  	s3 =	rddreg [dreg:$0x2];
	[bflag:$0x3] =	sbarrier.arrive $0xFFFF;
	s2 =	simm.s32 @!p0 $0x1C07  }
0x140: {  	[timem:s3], [sflag:s2] =	dma.local @!p0 [hbm:s0], s1  }
0x141: {  	s0 =	simm.s32 @!p0 $0x7  }
0x142: {  	_ =	swait.ge @!p0 [sflag:s0], s1  }
0x143: {  	s1 =	ssub.s32 @!p0 $0x0, s1;
	[sflag:s0] =	ssyncset.done @!p0 $0x0  }
0x144: {  	[sflag:s0] =	ssyncadd.s32 @!p0 s1  }
0x145: {  	[bflag:$0x3] =	sbarrier.arrive $0xFFFF  }
0x146: {  	_ =	shalt  }

// kernel: sparse-core-data-format-call.cloned.1.call-start
scs
called_computation_lowered:
.L_overlay_start_0:
0x0: {  	s2 =	sld [smem:$0x3FD9]  }
0x1: {  	s3 =	sld [smem:$0x3FFE];
	_ =	sdelay $0x1  }
0x2: {  	s1 =	srdreg.scid  }
0x3: {  	s0 =	sand.u32 $0x1, s1  }
0x4: {  	s18 =	sshll.u32 s0, $0xA;
	s2 =	sadd.s32 s3, s2  }
0x5: {  	s2 =	sadd.s32 s2, s18  }
0x6: {  	[smem:$0x3FC5] =	sst s2  }
0x7: {  	_ = 	snop  }
0x8: {  	s2 =	sld [smem:$0x3FD0];
	(tm) =	ssettm $0x1  }
0x9: {  	s19 =	sld [smem:$0x3FFB];
	_ =	sdelay $0x3  }
0xa: {  	_ =	strace s19  }
0xb: {  	s3 =	sld [smem:$0x3FFC];
	_ =	sdelay $0x3  }
0xc: {  	_ =	strace s3  }
0xd: {  	s3 =	sld [smem:$0x3FFD];
	_ =	sdelay $0x3  }
0xe: {  	_ =	strace s3  }
0xf: {  	_ =	strace $0x8FFFFFFF  }
0x10: {  	s20 =	sld [smem:$0x3FDB];
	_ =	sdelay $0x1  }
0x11: {  	s4 =	simm.s32 $_scs_section_size  }
0x12: {  	s5 =	simm.s32 $_size__tile_overlayer_lowered;
	s6 =	simm.s32 $_tile_overlayer_lowered  }
0x13: {  	s23 =	simm.s32 $0x1BFF;
	s22 =	sshll.u32 s6, $0x1;
	s3 =	sadd.s32 s4, s20  }
0x14: {  	s7 =	simm.s32 $0x0;
	s21 =	sshll.u32 s5, $0x1;
	s5 =	sadd.s32 s22, s3  }
0x15: {  	[timem:s7], [sflag:s23] =	dma.local [hbm:s5], s21  }
0x16: {  	_ =	swait.ge [sflag:s23], s21  }
0x17: {  	s4 =	ssub.s32 $0x0, s21;
	[sflag:s23] =	ssyncset.done $0x0  }
0x18: {  	[sflag:s23] =	ssyncadd.s32 s4;
	_ =	sdelay $0x1  }
0x19: {  	s24 =	simm.s32 $0x1B8B  }
0x1a: {  	_ =	swait.ge [sflag:s24], $0x1  }
0x1b: {  	[sflag:s24] =	ssyncset.done $0x0  }
0x1c: {  	s26 =	simm.s32 $0x1B8E;
	s25 =	sld [smem:$0x3FFE];
	[sflag:s24] =	ssyncadd.s32 $0xFFFFFFFF  }
0x1d: {  	s27 =	simm.s32 $execute0_lowered;
	[smem:$0x3FD2] =	sst s26  }
0x1e: {  	s5 =	sshll.u32 s27, $0x1;
	_ =	strace $0x80000049;
	[dreg:$0x1] =	wrdreg $0xFFFFFFFF  }
0x1f: {  	s28 =	simm.s32 $_size_execute0_lowered;
	s3 =	sadd.s32 s3, s5;
	[dreg:$0x0] =	wrdreg $0x0  }
0x20: {  	s5 =	sshll.u32 s28, $0x1;
	[dreg:$0x2] =	wrdreg s3  }
0x21: {  	[dreg:$0x3] =	wrdreg s5  }
0x22: {  	[dreg:$0x4] =	wrdreg $0xC0  }
0x23: {  	_ =	task [dreg:s7], $0x5FFFF  }
0x24: {  	[dreg:$0x1] =	wrdreg $0xFFFFFFFF  }
0x25: {  	[dreg:$0x0] =	wrdreg $0x60  }
0x26: {  	[dreg:$0x2] =	wrdreg s25  }
0x27: {  	[dreg:$0x3] =	wrdreg s2  }
0x28: {  	[dreg:$0x4] =	wrdreg $0x9  }
0x29: {  	_ =	task.clear_ibuf [dreg:s7], $0x5FFFF;
	_ =	strace $0x90000049  }
0x2a: {  	s29 =	simm.s32 $0x9;
	_ =	strace $0x8000004B  }
0x2b: {  	_ =	swait.ge [sflag:s29], $0x1  }
0x2c: {  	[sflag:s29] =	ssyncadd.s32 $0xFFFFFFFF  }
0x2d: {  	_ =	strace $0x9000004B  }
0x2e: {  	_ =	sfence  }
0x2f: {  	s30 =	sld [smem:$0x0];
	_ =	sdelay $0x2  }
0x30: {  	s31 =	sshll.u32 s1, $0xD;
	s1 =	sshrl.u32 s1, $0x2  }
0x31: {  	s3 =	sand.u32 $0x4000, s31;
	s1 =	sadd.s32 s1, s30  }
0x32: {  	s0 =	sor.u32 s3, s0;
	s1 =	sshll.u32 s1, $0x11  }
0x33: {  	s0 =	sor.u32 s1, s0  }
0x34: {  	s0 =	sadd.s32 $0x8F2B, s0  }
0x35: {  	[sflag:s0] =	ssyncadd.remote.s32 $0x1  }
0x36: {  	_ =	sfence.sel $0xFFFF  }
0x37: {  	[dreg:$0x0] =	wrdreg $0xFFFFFFFF;
	(pc) =	sbr.abs _section_cstart, $3  }
0x38: {  	[dreg:$0x1] =	wrdreg $0xFFFFFFFF  }
0x39: {  	_ =	task.clear_ibuf [dreg:s7], $0x2FFFF;
	_ =	strace $0x9FFFFFFF  }
0x3a: {  	(tm) =	ssettm $0x7FFFFFFF  }
0x3b: {  	_ =	shalt  }
tec
execute0_lowered:
.L_overlay_start_1:
0x0: {  	(tag) =	ssettag $0x1  }
0x1: {  	s0 =	srdreg.scid  }
0x2: {  	s1 =	sshll.u32 s0, $0x4  }
0x3: {  	s4 =	rddreg [dreg:$0x0];
	s0 =	stileid.u32;
	s1 =	sand.u32 $0x10, s1  }
0x4: {  	s2 =	rddreg [dreg:$0x1];
	s7 =	simm.s32 $0x1;
	s1 =	sor.u32 s0, s1  }
0x5: {  	s8 =	simm.s32 $0x2;
	s11 =	simm.s32 $0x0;
	s3 =	sshll.u32 s1, $0x7  }
0x6: {  	s10 =	simm.s32 $0x0;
	s4 =	sadd.s32 $0x800, s4;
	s6 =	ssub.s32 $0xC8000, s3  }
.Ltmp0:
0x7: {  	s1 =	rddreg [dreg:$0x2];
	s5 =	sand.u32 $0xF80, s6;
	(pc) =	sbr.rel .LBB1_1-.Ltmp0, $4  }
0x8: {  	_ =	strace $0x8000004A;
	s9 =	smov.u32 s3;
	p0 =	sne.s32 s5, $0x0  }
0x9: {  	s6 =	sshrl.u32 s6, $0xC;
	s5 =	simm.s32 $0x1;
	s7 =	simm.s32 @!p0 $0x0  }
0xa: {  	[sflag:s5] =	ssyncpa.u1 $0x0;
	p0 =	por $0x0, $0x0;
	s6 =	sadd.s32 s7, s6  }
0xb: {  	[sflag:s8] =	ssyncpa.u1 $0x0;
	s8 =	simm.s32 $0x640000;
	s7 =	sadd.s32 $0x1, s6  }
.LBB1_4:
0xc: {  	s14 =	sshll.u32 s11, $0x3  }
0xd: {  	s30 =	sand.u32 $0x7F, s11;
	s15 =	sand.u32 $0xFFFFFC00, s14  }
0xe: {  	s11 =	sor.u32 s30, s15  }
0xf: {  	s15 =	smulhi.u32 $0x51EB851F, s11  }
0x10: {  	s14 =	smulhi.u32 $0x51EB851F, s14  }
0x11: {  	s15 =	sshrl.u32 s15, $0x12  }
0x12: {  	s14 =	sshrl.u32 s14, $0x12;
	s15 =	smul.u32 $0xC8000, s15  }
0x13: {  	s14 =	sand.u32 $0x3F, s14  }
0x14: {  	s14 =	smul.u32 $0x19000, s14;
	s11 =	ssub.s32 s11, s15  }
0x15: {  	[tilespmem:s13+$0x810 ss:$0x81] =	vst.msk $0xffff, v2;
	s15 =	sand.u32 $0x7, s11  }
0x16: {  	[tilespmem:s13+$0x1020 ss:$0x81] =	vst.msk $0xffff, v0;
	s14 =	sadd.s32 s2, s14;
	s11 =	sshrl.u32 s11, $0x3;
	s15 =	sshll.u32 s15, $0x12  }
0x17: {  	[tilespmem:s13+$0x0 ss:$0x81] =	vst.msk $0xffff, v1;
	s11 =	sadd.s32 s11, s14;
	s31 =	sor.u32 $0x400, s15  }
0x18: {  	[hbm4b:s11+s31] =	stream.strided.scatter [tilespmem:s12], [sflag:$0x2], $0x2000, s8, s31, $0x20;
	[tilespmem:$0x8080] =	vst v63  }
.LBB1_5:
0x19: {  	s13 =	sadd.s32 $0x1000, s9  }
0x1a: {  	p2 =	sgt.s32 s13, $0xC7FFF  }
0x1b: {  	s13 =	smov.u32 @p2 s3;
	p2 =	sne.s32 s10, s7  }
.Ltmp1:
0x1c: {  	p1 =	slt.u32 s10, $0x2;
	(pc) =	sbr.rel @!p2 .LBB1_6-.Ltmp1, $4  }
0x1d: {  	s12 =	simm.s32 @!p1 $0x2  }
0x1e: {  	s14 =	sadd.s32 $0x1, s10;
	_ =	swait.ge @!p1 [sflag:s12], $0x2000  }
0x1f: {  	s11 =	smov.u32 s9;
	p0 =	por !p0, !p0;
	[sflag:s12] =	ssyncset.done @!p1 $0x0  }
0x20: {  	s10 =	smov.u32 s14;
	s9 =	smov.u32 s13;
	[sflag:s12] =	ssyncadd.s32 @!p1 $0xFFFFE000  }
.LBB1_1:
0x21: {  	p1 =	sge.u32 s10, s6  }
0x22: {  	s12 =	sand.u32 @!p1 $0x1FFFFFF, s9  }
0x23: {  	s13 =	smulhi.u32 @!p1 $0x147AE15, s12;
	_ =	sdelay $0x1  }
0x24: {  	s13 =	sshrl.u32 @!p1 s13, $0xC  }
0x25: {  	s13 =	smul.u32 @!p1 $0xC8000, s13;
	_ =	sdelay $0x1  }
0x26: {  	s31 =	sadd.s32 $0xFFFFFFFF, s10;
	s14 =	sxor.u32 @!p1 $0xFFFFFFFF, s10;
	s12 =	ssub.s32 @!p1 s12, s13  }
0x27: {  	s15 =	simm.s32 @!p1 $0x80;
	s14 =	sshll.u32 @!p1 s14, $0xD;
	s12 =	sshll.u32 @!p1 s12, $0x4  }
0x28: {  	s13 =	sand.u32 @!p1 $0x2000, s14;
	s14 =	simm.s32 @!p1 $0x40;
	s12 =	sadd.s32 @!p1 s4, s12  }
0x29: {  	[tilespmem:s13], [sflag:$0x1] =	stream.strided.gather @!p1 [hbm4b:s12+s14], $0x2000, s15, s14, $0x38;
	[tilespmem:$0x8080] =	vst v63  }
0x2a: {  	p1 =	sge.u32 s31, s6  }
.Ltmp2:
0x2b: {  	_ = 	snop;
	(pc) =	sbr.rel @p1 .LBB1_5-.Ltmp2, $1  }
0x2c: {  	_ =	sdelay $0x3  }
0x2d: {  	s12 =	simm.s32 $0x1  }
0x2e: {  	_ =	swait.ge [sflag:s5], $0x2000;
	s12 =	simm.s32 @!p0 $0x0  }
0x2f: {  	[sflag:s5] =	ssyncset.done $0x0;
	s13 =	sshll.u32 s12, $0xD  }
0x30: {  	[sflag:s5] =	ssyncadd.s32 $0xFFFFE000;
	s16 =	sor.u32 $0x20, s13  }
0x31: {  	s12 =	smul.u32 $0x8100, s12;
	v3 =	vld [tilespmem:s16+$0x10]  }
0x32: {  	s30 =	sand.u32 $0x1, s10;
	v2 =	vld [tilespmem:s16+$0xFFFFFFF0]  }
0x33: {  	s13 =	smul.u32 $0x8100, s30;
	s12 =	sshrl.u32 s12, $0x2;
	v0 =	vld [tilespmem:s16+$0x0]  }
0x34: {  	v1 =	vld [tilespmem:s16+$0xFFFFFFE0];
	s14 =	sor.u32 $0x4000, s12  }
0x35: {  	s31 =	sshrl.u32 s13, $0x2;
	s13 =	sadd.s32 $0x0, s14  }
0x36: {  	s15 =	simm.s32 $0x4;
	s16 =	sadd.s32 $0x40, s16;
	s12 =	sor.u32 $0x4000, s31;
	[tilespmem:s13+$0x1830 ss:$0x81] =	vst.msk $0xffff, v3  }
.LBB1_3:
0x37: {  	v3 =	vld [tilespmem:s16+$0x10];
	p1 =	sne.s32 s15, $0x1FC;
	[tilespmem:s13+$0x810 ss:$0x81] =	vst.msk $0xffff, v2;
	s17 =	smov.u32 s15;
	s15 =	sadd.s32 $0x4, s15  }
.Ltmp3:
0x38: {  	v2 =	vld [tilespmem:s16+$0xFFFFFFF0];
	[tilespmem:s13+$0x1020 ss:$0x81] =	vst.msk $0xffff, v0;
	(pc) =	sbr.rel @p1 .LBB1_3-.Ltmp3, $4  }
0x39: {  	v0 =	vld [tilespmem:s16+$0x0];
	[tilespmem:s13+$0x0 ss:$0x81] =	vst.msk $0xffff, v1  }
0x3a: {  	s13 =	sshra.s32 s17, $0x2;
	v1 =	vld [tilespmem:s16+$0xFFFFFFE0]  }
0x3b: {  	s13 =	sadd.s32 s13, s14  }
0x3c: {  	s16 =	sadd.s32 $0x40, s16;
	[tilespmem:s13+$0x1830 ss:$0x81] =	vst.msk $0xffff, v3  }
.Ltmp4:
0x3d: {  	_ = 	snop;
	(pc) =	sbr.rel .LBB1_4-.Ltmp4, $1  }
0x3e: {  	_ =	sdelay $0x3  }
.LBB1_6:
0x3f: {  	_ =	sfence.sel $0x180000  }
0x40: {  	s2 =	simm.s32 $0x1;
	[bflag:$0x0] =	sbarrier.arrive $0xFFFF  }
0x41: {  	s31 =	simm.s32 $0x2;
	[sflag:s2] =	ssyncpa.u1 $0x1  }
0x42: {  	[sflag:s31] =	ssyncpa.u1 $0x1  }
0x43: {  	p0 =	sne.s32 s0, $0x0;
	_ =	strace $0x9000004A  }
0x44: {  	s0 =	sadd.s32 @!p0 $0x100000, s1;
	[bflag:$0x2] =	sbarrier.arrive $0xFFFF  }
0x45: {  	[sflag:s0] =	ssyncadd.tile.s32 @!p0 $0x1;
	_ =	shalt  }
.Lfunc_end1:
_tile_overlayer_lowered:
.L_overlay_start_2:
0x46: {  	(tag) =	ssettag $0x2  }
0x47: {  	s0 =	rddreg [dreg:$0x0];
	s2 =	stileid.u32  }
0x48: {  	s1 =	rddreg [dreg:$0x1];
	p0 =	sne.s32 s2, $0x0  }
0x49: {  	s3 =	rddreg [dreg:$0x2];
	[bflag:$0x3] =	sbarrier.arrive $0xFFFF;
	s2 =	simm.s32 @!p0 $0x1C01  }
0x4a: {  	[timem:s3], [sflag:s2] =	dma.local @!p0 [hbm:s0], s1  }
0x4b: {  	s0 =	simm.s32 @!p0 $0x1  }
0x4c: {  	_ =	swait.ge @!p0 [sflag:s0], s1  }
0x4d: {  	s1 =	ssub.s32 @!p0 $0x0, s1;
	[sflag:s0] =	ssyncset.done @!p0 $0x0  }
0x4e: {  	[sflag:s0] =	ssyncadd.s32 @!p0 s1  }
0x4f: {  	[bflag:$0x3] =	sbarrier.arrive $0xFFFF  }
0x50: {  	_ =	shalt  }

</sc_bundles>
